<compile_context>
chip_gen: v7x
topology: tpu7x:2x2x1
jax: 0.10.2.dev20260603
libtpu: 0.0.44.dev20260713+nightly
codegen_flags: <defaults>
</compile_context>

<pallas_src>
import functools
import math

import jax
import jax.numpy as jnp
import numpy as np
from jax import lax
from jax.experimental import pallas as pl
from jax.experimental.pallas import tpu as pltpu
from jax.experimental.pallas import tpu_sc as plsc

_SC_NC, _SC_NS = 2, 16
_SC_NW = _SC_NC * _SC_NS

DIM = 768
HEADS = 12
HEAD_DIM = 64
K_NEIGH = 64
SCALE = 1.0 / math.sqrt(HEAD_DIM)
NEG = -1e30
QB = 256
WIN = 384

_CONTRACT_LAST = (((1,), (1,)), ((), ()))


@functools.lru_cache(maxsize=None)
def _route_constants(seq_len: int, k: int, depth: int = 8):
    pos = np.arange(seq_len)
    x = pos.astype(np.float32) / np.float32(max(1, seq_len - 1))
    x = np.clip(x, np.float32(1e-06), np.float32(1.0 - 1e-06)).astype(np.float32)
    val = np.zeros_like(x)
    factor = 0.5
    for _ in range(depth):
        x_scaled = x * np.float32(3.0)
        digit = x_scaled.astype(np.int32)
        x_frac = (x_scaled - digit.astype(np.float32)).astype(np.float32)
        val = (val + (digit == 2).astype(np.float32) * np.float32(factor)).astype(np.float32)
        x = x_frac
        factor *= 0.5
    val = np.clip(val, 0.0, 1.0).astype(np.float32)
    dist = np.abs(val[:, None] - val[None, :])
    routes = np.argsort(dist, axis=1, kind="stable")[:, :k]

    perm = np.argsort(val, kind="stable")
    rank = np.empty(seq_len, dtype=np.int64)
    rank[perm] = np.arange(seq_len)

    nbr_ranks = rank[routes]
    nbr_sorted = nbr_ranks[perm]
    lo = nbr_sorted.min(axis=1)
    hi = nbr_sorted.max(axis=1)

    n_blocks = seq_len // QB
    ws = np.zeros(n_blocks, dtype=np.int32)
    bias = np.full((seq_len, WIN), NEG, dtype=np.float32)
    for b in range(n_blocks):
        r0, r1 = b * QB, (b + 1) * QB
        start = (lo[r0:r1].min() // 16) * 16
        start = min(int(start), seq_len - WIN)
        assert hi[r0:r1].max() < start + WIN
        ws[b] = start
        for r in range(r0, r1):
            bias[r, nbr_sorted[r] - start] = 0.0
    return perm.astype(np.int32), rank.astype(np.int32), ws, bias


def _sc_permute_rows(table, idx):
    n, d = table.shape
    rows_per_w = n // _SC_NW
    mesh = plsc.VectorSubcoreMesh(core_axis_name="c", subcore_axis_name="s")

    @functools.partial(
        pl.kernel, mesh=mesh,
        out_type=jax.ShapeDtypeStruct((n, d), table.dtype),
        scratch_types=[
            pltpu.VMEM((rows_per_w,), jnp.int32),
            pltpu.VMEM((rows_per_w, d), table.dtype),
            pltpu.SemaphoreType.DMA,
        ],
    )
    def k(table_hbm, idx_hbm, out_hbm, idx_v, rows_v, sem):
        wid = lax.axis_index("s") * _SC_NC + lax.axis_index("c")
        base = wid * rows_per_w
        pltpu.sync_copy(idx_hbm.at[pl.ds(base, rows_per_w)], idx_v)
        pltpu.async_copy(table_hbm.at[idx_v], rows_v, sem).wait()
        pltpu.sync_copy(rows_v, out_hbm.at[pl.ds(base, rows_per_w)])

    return k(table, idx)


def _fused_kernel(ws_ref, x_ref, w_ref, b_ref, wo_ref, bo_ref, bias_ref,
                  o_ref, k_scr, v_scr, oh_scr):
    b = pl.program_id(0)

    @pl.when(b == 0)
    def _prime_kv():
        x = x_ref[...]
        k_scr[...] = jax.lax.dot_general(
            x, w_ref[DIM:2 * DIM], _CONTRACT_LAST,
            preferred_element_type=jnp.float32) + b_ref[0, DIM:2 * DIM]
        v_scr[...] = jax.lax.dot_general(
            x, w_ref[2 * DIM:], _CONTRACT_LAST,
            preferred_element_type=jnp.float32) + b_ref[0, 2 * DIM:]

    ws = pl.multiple_of(ws_ref[b], 16)
    kw = k_scr[pl.ds(ws, WIN), :]
    vw = v_scr[pl.ds(ws, WIN), :]
    bias_b = bias_ref[...]
    qb_all = (
        jax.lax.dot_general(x_ref[pl.ds(b * QB, QB)], w_ref[:DIM],
                            _CONTRACT_LAST,
                            preferred_element_type=jnp.float32)
        + b_ref[0, :DIM]
    ) * SCALE
    for h in range(HEADS):
        c0, c1 = h * HEAD_DIM, (h + 1) * HEAD_DIM
        qb = qb_all[:, c0:c1]
        s = (
            jnp.dot(qb, kw[:, c0:c1].T, preferred_element_type=jnp.float32)
            + bias_b
        )
        m = jnp.max(s, axis=-1, keepdims=True)
        e = jnp.exp(s - m)
        o_hb = jnp.dot(e, vw[:, c0:c1], preferred_element_type=jnp.float32)
        o_hb = o_hb / jnp.sum(e, axis=-1, keepdims=True)
        oh_scr[:, c0:c1] = o_hb
    o_ref[...] = (
        jax.lax.dot_general(oh_scr[...], wo_ref[...], _CONTRACT_LAST,
                            preferred_element_type=jnp.float32)
        + bo_ref[...]
    )


def kernel(x, W_qkv, b_qkv, W_out, b_out):
    B, S, D = x.shape
    H, hd = HEADS, HEAD_DIM
    perm_np, rank_np, ws_np, bias_np = _route_constants(S, K_NEIGH)
    perm = jnp.asarray(perm_np)
    invperm = jnp.asarray(rank_np)
    ws = jnp.asarray(ws_np)
    bias = jnp.asarray(bias_np)

    x_perm = _sc_permute_rows(x.reshape(S, D), perm)

    out = pl.pallas_call(
        _fused_kernel,
        grid=(S // QB,),
        in_specs=[
            pl.BlockSpec(memory_space=pltpu.SMEM),
            pl.BlockSpec((S, D), lambda b: (0, 0)),
            pl.BlockSpec((3 * D, D), lambda b: (0, 0)),
            pl.BlockSpec((1, 3 * D), lambda b: (0, 0)),
            pl.BlockSpec((D, D), lambda b: (0, 0)),
            pl.BlockSpec((1, D), lambda b: (0, 0)),
            pl.BlockSpec((QB, WIN), lambda b: (b, 0)),
        ],
        out_specs=pl.BlockSpec((QB, D), lambda b: (b, 0)),
        out_shape=jax.ShapeDtypeStruct((S, D), jnp.float32),
        scratch_shapes=[
            pltpu.VMEM((S, D), jnp.float32),
            pltpu.VMEM((S, D), jnp.float32),
            pltpu.VMEM((QB, D), jnp.float32),
        ],
    )(ws, x_perm, W_qkv, b_qkv.reshape(1, 3 * D), W_out, b_out.reshape(1, D),
      bias)

    return _sc_permute_rows(out, invperm).reshape(B, S, D)

# --- scband reference (transcript-rebuilt; emitter-appended) ---
"""Pipeline reference for scband-multi-scale-expert-companion-26104811225654 (READ-ONLY COPY).

The authoritative reference and input builder live on the scoring server;
editing this copy changes nothing except your own understanding.
"""

import jax, jax.numpy as jnp
import numpy as np
import math

DIM = 768
HEADS = 12
HEAD_DIM = 64
K_NEIGH = 64
SCALE = 1.0 / math.sqrt(HEAD_DIM)


def cantor_coords(seq_len, depth=8):
    pos = jnp.arange(seq_len)
    x = pos.astype(jnp.float32) / max(1, seq_len - 1)
    x = jnp.clip(x, 1e-06, 1.0 - 1e-06)
    val = jnp.zeros_like(x)
    factor = 0.5
    for _ in range(depth):
        x_scaled = x * 3.0
        digit = x_scaled.astype(jnp.int32)
        x_frac = x_scaled - digit.astype(jnp.float32)
        middle_bit = (digit == 2).astype(jnp.float32)
        val = val + middle_bit * factor
        x = x_frac
        factor *= 0.5
    return jnp.clip(val, 0.0, 1.0)


def build_routes(seq_len, k):
    coords = cantor_coords(seq_len, depth=8)
    distances = jnp.abs(coords[:, None] - coords[None, :])
    # torch.topk(..., largest=False) -> smallest distances
    _, routes = jax.lax.top_k(-distances, k)
    return routes.astype(jnp.int32)


def setup_inputs(seed: int = 0):
    key = jax.random.key(seed)
    ks = jax.random.split(key, 5)
    x = jax.random.normal(ks[0], (1, 2048, DIM), dtype=jnp.float32)
    W_qkv = jax.random.normal(ks[1], (3 * DIM, DIM), dtype=jnp.float32) * 0.02
    b_qkv = jnp.zeros((3 * DIM,), dtype=jnp.float32)
    W_out = jax.random.normal(ks[2], (DIM, DIM), dtype=jnp.float32) * 0.02
    b_out = jnp.zeros((DIM,), dtype=jnp.float32)
    return {"x": x, "W_qkv": W_qkv, "b_qkv": b_qkv, "W_out": W_out, "b_out": b_out}


def reference(x, W_qkv, b_qkv, W_out, b_out):
    B, S, D = x.shape
    H, hd = HEADS, HEAD_DIM
    qkv = x @ W_qkv.T + b_qkv  # [B, S, 3D]
    qkv = qkv.reshape(B, S, 3, H, hd).transpose(2, 0, 3, 1, 4)  # [3, B, H, S, hd]
    q, k, v = qkv[0], qkv[1], qkv[2]
    routes = build_routes(S, K_NEIGH)  # [S, K] constant wrt inputs
    # sparse gather of K/V neighbors: [B, H, S, K, hd]
    k_gathered = k[:, :, routes, :]
    v_gathered = v[:, :, routes, :]
    scores = jnp.einsum('bhqd,bhqkd->bhqk', q, k_gathered) * SCALE
    attn = jax.nn.softmax(scores, axis=-1)
    out = jnp.einsum('bhqk,bhqkd->bhqd', attn, v_gathered)
    out = out.transpose(0, 2, 1, 3).reshape(B, S, D)
    return out @ W_out.T + b_out

if __name__ == "__main__":
    import jax
    _d = setup_inputs()
    print(jax.jit(kernel)(*tuple(_d.values())))

</pallas_src>

<mosaic_0001>
#map = affine_map<(d0, d1) -> (0, 0)>
#map1 = affine_map<(d0, d1) -> (0)>
module attributes {stable_mosaic.version = 14 : i64} {
  func.func @k(%arg0: i32, %arg1: i32, %arg2: memref<2048x768xf32, #tpu.memory_space<hbm>>, %arg3: memref<2048xi32, #tpu.memory_space<hbm>>, %arg4: memref<2048x768xf32, #tpu.memory_space<hbm>>, %arg5: memref<64xi32, #tpu.memory_space<vmem>>, %arg6: memref<64x768xf32, #tpu.memory_space<vmem>>, %arg7: memref<!tpu.dma_semaphore, #tpu.memory_space<semaphore_mem>>) attributes {dimension_semantics = [#tpu.dimension_semantics<core_parallel>, #tpu.dimension_semantics<subcore_parallel>], iteration_bounds = array<i64: 2, 16>, scalar_prefetch = 0 : i64, scratch_operands = 3 : i64, tpu.core_type = #tpu.core_type<sc_vector_subcore>, window_params = [{transform_indices = #map}, {transform_indices = #map1}, {transform_indices = #map}]} {
    %mul3A = arith.constant 2 : i32
    %mul3A_0 = arith.muli %arg1, %mul3A : i32
    %add3A = arith.addi %mul3A_0, %arg0 : i32
    %mul3A_1 = arith.constant 64 : i32
    %mul3A_2 = arith.muli %add3A, %mul3A_1 : i32
    "tpu.region"() ({
      %run_scoped3A = tpu.sem_alloc : memref<!tpu.dma_semaphore, #tpu.memory_space<semaphore_mem>>
      %dma_start3A_7 = tpu.memref_slice %arg3[%mul3A_2] : memref<2048xi32, #tpu.memory_space<hbm>> -> memref<64xi32, #tpu.memory_space<hbm>>
      %dma_start3A_8 = tpu.memref_slice %arg3[%mul3A_2] : memref<2048xi32, #tpu.memory_space<hbm>> -> memref<64xi32, #tpu.memory_space<hbm>>
      tpu.enqueue_dma source(%dma_start3A_8 : memref<64xi32, #tpu.memory_space<hbm>>) target(%arg5 : memref<64xi32, #tpu.memory_space<vmem>>) target_semaphore(%run_scoped3A : memref<!tpu.dma_semaphore, #tpu.memory_space<semaphore_mem>>)
      %dma_wait3A_9 = tpu.memref_slice %arg3[%mul3A_2] : memref<2048xi32, #tpu.memory_space<hbm>> -> memref<64xi32, #tpu.memory_space<hbm>>
      %dma_wait3A_10 = tpu.memref_slice %arg3[%mul3A_2] : memref<2048xi32, #tpu.memory_space<hbm>> -> memref<64xi32, #tpu.memory_space<hbm>>
      tpu.wait_dma2 semaphore(%run_scoped3A : memref<!tpu.dma_semaphore, #tpu.memory_space<semaphore_mem>>) src(%dma_wait3A_10 : memref<64xi32, #tpu.memory_space<hbm>>) dst(%arg5 : memref<64xi32, #tpu.memory_space<vmem>>)
      tpu.yield
    }) : () -> ()
    %dma_start3A = arith.constant 0 : i32
    %dma_start3A_3 = arith.constant 0 : i32
    %dma_start3A_4 = tpu.memref_slice %arg2[%dma_start3A, %dma_start3A_3] : memref<2048x768xf32, #tpu.memory_space<hbm>> -> memref<2048x768xf32, #tpu.memory_space<hbm>>
    tpu.enqueue_indirect_dma source(%dma_start3A_4 : memref<2048x768xf32, #tpu.memory_space<hbm>>) target(%arg6 : memref<64x768xf32, #tpu.memory_space<vmem>>) offsets(%arg5 : memref<64xi32, #tpu.memory_space<vmem>>) semaphore(%arg7 : memref<!tpu.dma_semaphore, #tpu.memory_space<semaphore_mem>>)
    %dma_wait3A = arith.constant 0 : i32
    %dma_wait3A_5 = arith.constant 0 : i32
    %dma_wait3A_6 = tpu.memref_slice %arg2[%dma_wait3A, %dma_wait3A_5] : memref<2048x768xf32, #tpu.memory_space<hbm>> -> memref<2048x768xf32, #tpu.memory_space<hbm>>
    tpu.wait_indirect_dma semaphore(%arg7 : memref<!tpu.dma_semaphore, #tpu.memory_space<semaphore_mem>>) src(%dma_wait3A_6 : memref<2048x768xf32, #tpu.memory_space<hbm>>) dst(%arg6 : memref<64x768xf32, #tpu.memory_space<vmem>>)
    "tpu.region"() ({
      %run_scoped3A = tpu.sem_alloc : memref<!tpu.dma_semaphore, #tpu.memory_space<semaphore_mem>>
      %dma_start3A_7 = arith.constant 0 : i32
      %dma_start3A_8 = tpu.memref_slice %arg4[%mul3A_2, %dma_start3A_7] : memref<2048x768xf32, #tpu.memory_space<hbm>> -> memref<64x768xf32, #tpu.memory_space<hbm>>
      %dma_start3A_9 = arith.constant 0 : i32
      %dma_start3A_10 = tpu.memref_slice %arg4[%mul3A_2, %dma_start3A_9] : memref<2048x768xf32, #tpu.memory_space<hbm>> -> memref<64x768xf32, #tpu.memory_space<hbm>>
      tpu.enqueue_dma source(%arg6 : memref<64x768xf32, #tpu.memory_space<vmem>>) target(%dma_start3A_10 : memref<64x768xf32, #tpu.memory_space<hbm>>) target_semaphore(%run_scoped3A : memref<!tpu.dma_semaphore, #tpu.memory_space<semaphore_mem>>)
      %dma_wait3A_11 = arith.constant 0 : i32
      %dma_wait3A_12 = tpu.memref_slice %arg4[%mul3A_2, %dma_wait3A_11] : memref<2048x768xf32, #tpu.memory_space<hbm>> -> memref<64x768xf32, #tpu.memory_space<hbm>>
      %dma_wait3A_13 = arith.constant 0 : i32
      %dma_wait3A_14 = tpu.memref_slice %arg4[%mul3A_2, %dma_wait3A_13] : memref<2048x768xf32, #tpu.memory_space<hbm>> -> memref<64x768xf32, #tpu.memory_space<hbm>>
      tpu.wait_dma2 semaphore(%run_scoped3A : memref<!tpu.dma_semaphore, #tpu.memory_space<semaphore_mem>>) src(%arg6 : memref<64x768xf32, #tpu.memory_space<vmem>>) dst(%dma_wait3A_14 : memref<64x768xf32, #tpu.memory_space<hbm>>)
      tpu.yield
    }) : () -> ()
    return
  }
}

#map = affine_map<(d0, d1) -> (0, 0)>
#map1 = affine_map<(d0, d1) -> (0)>
module attributes {stable_mosaic.version = 14 : i64} {
  func.func @k(%arg0: i32, %arg1: i32, %arg2: memref<2048x768xf32, #tpu.memory_space<hbm>>, %arg3: memref<2048xi32, #tpu.memory_space<hbm>>, %arg4: memref<2048x768xf32, #tpu.memory_space<hbm>>, %arg5: memref<64xi32, #tpu.memory_space<vmem>>, %arg6: memref<64x768xf32, #tpu.memory_space<vmem>>, %arg7: memref<!tpu.dma_semaphore, #tpu.memory_space<semaphore_mem>>) attributes {dimension_semantics = [#tpu.dimension_semantics<core_parallel>, #tpu.dimension_semantics<subcore_parallel>], iteration_bounds = array<i64: 2, 16>, scalar_prefetch = 0 : i64, scratch_operands = 3 : i64, tpu.core_type = #tpu.core_type<sc_vector_subcore>, window_params = [{transform_indices = #map}, {transform_indices = #map1}, {transform_indices = #map}]} {
    %mul3A = arith.constant 2 : i32
    %mul3A_0 = arith.muli %arg1, %mul3A : i32
    %add3A = arith.addi %mul3A_0, %arg0 : i32
    %mul3A_1 = arith.constant 64 : i32
    %mul3A_2 = arith.muli %add3A, %mul3A_1 : i32
    "tpu.region"() ({
      %run_scoped3A = tpu.sem_alloc : memref<!tpu.dma_semaphore, #tpu.memory_space<semaphore_mem>>
      %dma_start3A_7 = tpu.memref_slice %arg3[%mul3A_2] : memref<2048xi32, #tpu.memory_space<hbm>> -> memref<64xi32, #tpu.memory_space<hbm>>
      %dma_start3A_8 = tpu.memref_slice %arg3[%mul3A_2] : memref<2048xi32, #tpu.memory_space<hbm>> -> memref<64xi32, #tpu.memory_space<hbm>>
      tpu.enqueue_dma source(%dma_start3A_8 : memref<64xi32, #tpu.memory_space<hbm>>) target(%arg5 : memref<64xi32, #tpu.memory_space<vmem>>) target_semaphore(%run_scoped3A : memref<!tpu.dma_semaphore, #tpu.memory_space<semaphore_mem>>)
      %dma_wait3A_9 = tpu.memref_slice %arg3[%mul3A_2] : memref<2048xi32, #tpu.memory_space<hbm>> -> memref<64xi32, #tpu.memory_space<hbm>>
      %dma_wait3A_10 = tpu.memref_slice %arg3[%mul3A_2] : memref<2048xi32, #tpu.memory_space<hbm>> -> memref<64xi32, #tpu.memory_space<hbm>>
      tpu.wait_dma2 semaphore(%run_scoped3A : memref<!tpu.dma_semaphore, #tpu.memory_space<semaphore_mem>>) src(%dma_wait3A_10 : memref<64xi32, #tpu.memory_space<hbm>>) dst(%arg5 : memref<64xi32, #tpu.memory_space<vmem>>)
      tpu.yield
    }) : () -> ()
    %dma_start3A = arith.constant 0 : i32
    %dma_start3A_3 = arith.constant 0 : i32
    %dma_start3A_4 = tpu.memref_slice %arg2[%dma_start3A, %dma_start3A_3] : memref<2048x768xf32, #tpu.memory_space<hbm>> -> memref<2048x768xf32, #tpu.memory_space<hbm>>
    tpu.enqueue_indirect_dma source(%dma_start3A_4 : memref<2048x768xf32, #tpu.memory_space<hbm>>) target(%arg6 : memref<64x768xf32, #tpu.memory_space<vmem>>) offsets(%arg5 : memref<64xi32, #tpu.memory_space<vmem>>) semaphore(%arg7 : memref<!tpu.dma_semaphore, #tpu.memory_space<semaphore_mem>>)
    %dma_wait3A = arith.constant 0 : i32
    %dma_wait3A_5 = arith.constant 0 : i32
    %dma_wait3A_6 = tpu.memref_slice %arg2[%dma_wait3A, %dma_wait3A_5] : memref<2048x768xf32, #tpu.memory_space<hbm>> -> memref<2048x768xf32, #tpu.memory_space<hbm>>
    tpu.wait_indirect_dma semaphore(%arg7 : memref<!tpu.dma_semaphore, #tpu.memory_space<semaphore_mem>>) src(%dma_wait3A_6 : memref<2048x768xf32, #tpu.memory_space<hbm>>) dst(%arg6 : memref<64x768xf32, #tpu.memory_space<vmem>>)
    "tpu.region"() ({
      %run_scoped3A = tpu.sem_alloc : memref<!tpu.dma_semaphore, #tpu.memory_space<semaphore_mem>>
      %dma_start3A_7 = arith.constant 0 : i32
      %dma_start3A_8 = tpu.memref_slice %arg4[%mul3A_2, %dma_start3A_7] : memref<2048x768xf32, #tpu.memory_space<hbm>> -> memref<64x768xf32, #tpu.memory_space<hbm>>
      %dma_start3A_9 = arith.constant 0 : i32
      %dma_start3A_10 = tpu.memref_slice %arg4[%mul3A_2, %dma_start3A_9] : memref<2048x768xf32, #tpu.memory_space<hbm>> -> memref<64x768xf32, #tpu.memory_space<hbm>>
      tpu.enqueue_dma source(%arg6 : memref<64x768xf32, #tpu.memory_space<vmem>>) target(%dma_start3A_10 : memref<64x768xf32, #tpu.memory_space<hbm>>) target_semaphore(%run_scoped3A : memref<!tpu.dma_semaphore, #tpu.memory_space<semaphore_mem>>)
      %dma_wait3A_11 = arith.constant 0 : i32
      %dma_wait3A_12 = tpu.memref_slice %arg4[%mul3A_2, %dma_wait3A_11] : memref<2048x768xf32, #tpu.memory_space<hbm>> -> memref<64x768xf32, #tpu.memory_space<hbm>>
      %dma_wait3A_13 = arith.constant 0 : i32
      %dma_wait3A_14 = tpu.memref_slice %arg4[%mul3A_2, %dma_wait3A_13] : memref<2048x768xf32, #tpu.memory_space<hbm>> -> memref<64x768xf32, #tpu.memory_space<hbm>>
      tpu.wait_dma2 semaphore(%run_scoped3A : memref<!tpu.dma_semaphore, #tpu.memory_space<semaphore_mem>>) src(%arg6 : memref<64x768xf32, #tpu.memory_space<vmem>>) dst(%dma_wait3A_14 : memref<64x768xf32, #tpu.memory_space<hbm>>)
      tpu.yield
    }) : () -> ()
    return
  }
}

module attributes {stable_mosaic.version = 14 : i64} {
  func.func @_fused_kernel(%arg0: i32, %arg1: memref<8xi32, #tpu.memory_space<smem>>, %arg2: memref<2048x768xf32, #tpu.memory_space<vmem>>, %arg3: memref<2304x768xf32, #tpu.memory_space<vmem>>, %arg4: memref<1x2304xf32, #tpu.memory_space<vmem>>, %arg5: memref<768x768xf32, #tpu.memory_space<vmem>>, %arg6: memref<1x768xf32, #tpu.memory_space<vmem>>, %arg7: memref<256x384xf32, #tpu.memory_space<vmem>>, %arg8: memref<256x768xf32, #tpu.memory_space<vmem>>, %arg9: memref<2048x768xf32, #tpu.memory_space<vmem>>, %arg10: memref<2048x768xf32, #tpu.memory_space<vmem>>, %arg11: memref<256x768xf32, #tpu.memory_space<vmem>>) attributes {dimension_semantics = [#tpu.dimension_semantics<arbitrary>], iteration_bounds = array<i64: 8>, scalar_prefetch = 0 : i64, scratch_operands = 3 : i64, tpu.core_type = #tpu.core_type<tc>, window_params = [{transform_indices = @transform_0, window_bounds = array<i64: 8>}, {pipeline_mode = #tpu.pipeline_mode<synchronous>, transform_indices = @transform_1, window_bounds = array<i64: 2048, 768>}, {pipeline_mode = #tpu.pipeline_mode<synchronous>, transform_indices = @transform_2, window_bounds = array<i64: 2304, 768>}, {pipeline_mode = #tpu.pipeline_mode<synchronous>, transform_indices = @transform_3, window_bounds = array<i64: 1, 2304>}, {pipeline_mode = #tpu.pipeline_mode<synchronous>, transform_indices = @transform_4, window_bounds = array<i64: 768, 768>}, {pipeline_mode = #tpu.pipeline_mode<synchronous>, transform_indices = @transform_5, window_bounds = array<i64: 1, 768>}, {transform_indices = @transform_6, window_bounds = array<i64: 256, 384>}, {transform_indices = @transform_7, window_bounds = array<i64: 256, 768>}]} {
    %eq3A = arith.constant 0 : i32
    %eq3A_0 = arith.cmpi eq, %arg0, %eq3A : i32
    %convert_element_type3A = arith.extui %eq3A_0 : i1 to i32
    %cond3A = arith.constant 0 : i32
    %cond3A_1 = arith.cmpi ne, %convert_element_type3A, %cond3A : i32
    scf.if %cond3A_1 {
      %get3A_312 = arith.constant 0 : index
      %get3A_313 = arith.constant 0 : index
      %get3A_314 = vector.load %arg2[%get3A_312, %get3A_313] : memref<2048x768xf32, #tpu.memory_space<vmem>>, vector<2048x768xf32>
      %get3A_315 = arith.constant 768 : index
      %get3A_316 = arith.constant 0 : index
      %get3A_317 = vector.load %arg3[%get3A_315, %get3A_316] : memref<2304x768xf32, #tpu.memory_space<vmem>>, vector<768x768xf32>
      %dot_general3A_318 = arith.constant dense<0.000000e+00> : vector<2048x768xf32>
      %dot_general3A_319 = tpu.matmul %get3A_314, %get3A_317, %dot_general3A_318 {dimension_numbers = #tpu.dot_dimension_numbers<[1], [1], [0], [0], [0, 0, 1, 0], [], []>, transpose_lhs_hint = false} : vector<2048x768xf32>, vector<768x768xf32>, vector<2048x768xf32> -> vector<2048x768xf32>
      %get3A_320 = arith.constant 0 : index
      %get3A_321 = arith.constant 768 : index
      %get3A_322 = vector.load %arg4[%get3A_320, %get3A_321] : memref<1x2304xf32, #tpu.memory_space<vmem>>, vector<1x768xf32>
      %get3A_323 = vector.shape_cast %get3A_322 : vector<1x768xf32> to vector<768xf32>
      %broadcast_in_dim3A_324 = vector.shape_cast %get3A_323 : vector<768xf32> to vector<1x768xf32>
      %add3A_325 = vector.broadcast %broadcast_in_dim3A_324 : vector<1x768xf32> to vector<2048x768xf32>
      %add3A_326 = arith.addf %dot_general3A_319, %add3A_325 : vector<2048x768xf32>
      %swap3A_327 = arith.constant 0 : index
      %swap3A_328 = arith.constant 0 : index
      %swap3A_329 = vector.load %arg9[%swap3A_327, %swap3A_328] : memref<2048x768xf32, #tpu.memory_space<vmem>>, vector<2048x768xf32>
      tpu.vector_store %arg9[%swap3A_327, %swap3A_328], %add3A_326 {strides = array<i32>} : memref<2048x768xf32, #tpu.memory_space<vmem>>, vector<2048x768xf32>,
      %get3A_330 = arith.constant 1536 : index
      %get3A_331 = arith.constant 0 : index
      %get3A_332 = vector.load %arg3[%get3A_330, %get3A_331] : memref<2304x768xf32, #tpu.memory_space<vmem>>, vector<768x768xf32>
      %dot_general3A_333 = arith.constant dense<0.000000e+00> : vector<2048x768xf32>
      %dot_general3A_334 = tpu.matmul %get3A_314, %get3A_332, %dot_general3A_333 {dimension_numbers = #tpu.dot_dimension_numbers<[1], [1], [0], [0], [0, 0, 1, 0], [], []>, transpose_lhs_hint = false} : vector<2048x768xf32>, vector<768x768xf32>, vector<2048x768xf32> -> vector<2048x768xf32>
      %get3A_335 = arith.constant 0 : index
      %get3A_336 = arith.constant 1536 : index
      %get3A_337 = vector.load %arg4[%get3A_335, %get3A_336] : memref<1x2304xf32, #tpu.memory_space<vmem>>, vector<1x768xf32>
      %get3A_338 = vector.shape_cast %get3A_337 : vector<1x768xf32> to vector<768xf32>
      %broadcast_in_dim3A_339 = vector.shape_cast %get3A_338 : vector<768xf32> to vector<1x768xf32>
      %add3A_340 = vector.broadcast %broadcast_in_dim3A_339 : vector<1x768xf32> to vector<2048x768xf32>
      %add3A_341 = arith.addf %dot_general3A_334, %add3A_340 : vector<2048x768xf32>
      %swap3A_342 = arith.constant 0 : index
      %swap3A_343 = arith.constant 0 : index
      %swap3A_344 = vector.load %arg10[%swap3A_342, %swap3A_343] : memref<2048x768xf32, #tpu.memory_space<vmem>>, vector<2048x768xf32>
      tpu.vector_store %arg10[%swap3A_342, %swap3A_343], %add3A_341 {strides = array<i32>} : memref<2048x768xf32, #tpu.memory_space<vmem>>, vector<2048x768xf32>,
    } else {
    }
    %get3A = arith.index_cast %arg0 : i32 to index
    %get3A_2 = memref.load %arg1[%get3A] : memref<8xi32, #tpu.memory_space<smem>>
    %multiple_of3A = tpu.assume_multiple %get3A_2, 16 : i32
    %get3A_3 = arith.index_cast %multiple_of3A : i32 to index
    %get3A_4 = arith.constant 0 : index
    %get3A_5 = vector.load %arg9[%get3A_3, %get3A_4] : memref<2048x768xf32, #tpu.memory_space<vmem>>, vector<384x768xf32>
    %get3A_6 = arith.index_cast %multiple_of3A : i32 to index
    %get3A_7 = arith.constant 0 : index
    %get3A_8 = vector.load %arg10[%get3A_6, %get3A_7] : memref<2048x768xf32, #tpu.memory_space<vmem>>, vector<384x768xf32>
    %get3A_9 = arith.constant 0 : index
    %get3A_10 = arith.constant 0 : index
    %get3A_11 = vector.load %arg7[%get3A_9, %get3A_10] : memref<256x384xf32, #tpu.memory_space<vmem>>, vector<256x384xf32>
    %mul3A = arith.constant 256 : i32
    %mul3A_12 = arith.muli %arg0, %mul3A : i32
    %get3A_13 = arith.index_cast %mul3A_12 : i32 to index
    %get3A_14 = arith.constant 0 : index
    %get3A_15 = vector.load %arg2[%get3A_13, %get3A_14] : memref<2048x768xf32, #tpu.memory_space<vmem>>, vector<256x768xf32>
    %get3A_16 = arith.constant 0 : index
    %get3A_17 = arith.constant 0 : index
    %get3A_18 = vector.load %arg3[%get3A_16, %get3A_17] : memref<2304x768xf32, #tpu.memory_space<vmem>>, vector<768x768xf32>
    %dot_general3A = arith.constant dense<0.000000e+00> : vector<256x768xf32>
    %dot_general3A_19 = tpu.matmul %get3A_15, %get3A_18, %dot_general3A {dimension_numbers = #tpu.dot_dimension_numbers<[1], [1], [0], [0], [0, 0, 1, 0], [], []>, transpose_lhs_hint = false} : vector<256x768xf32>, vector<768x768xf32>, vector<256x768xf32> -> vector<256x768xf32>
    %get3A_20 = arith.constant 0 : index
    %get3A_21 = arith.constant 0 : index
    %get3A_22 = vector.load %arg4[%get3A_20, %get3A_21] : memref<1x2304xf32, #tpu.memory_space<vmem>>, vector<1x768xf32>
    %get3A_23 = vector.shape_cast %get3A_22 : vector<1x768xf32> to vector<768xf32>
    %broadcast_in_dim3A = vector.shape_cast %get3A_23 : vector<768xf32> to vector<1x768xf32>
    %add3A = vector.broadcast %broadcast_in_dim3A : vector<1x768xf32> to vector<256x768xf32>
    %add3A_24 = arith.addf %dot_general3A_19, %add3A : vector<256x768xf32>
    %mul3A_25 = arith.constant 1.250000e-01 : f32
    %mul3A_26 = vector.broadcast %mul3A_25 : f32 to vector<256x768xf32>
    %mul3A_27 = arith.mulf %add3A_24, %mul3A_26 : vector<256x768xf32>
    %slice3A = vector.extract_strided_slice %mul3A_27 {offsets = [0, 0], sizes = [256, 64], strides = [1, 1]} : vector<256x768xf32> to vector<256x64xf32>
    %slice3A_28 = vector.extract_strided_slice %get3A_5 {offsets = [0, 0], sizes = [384, 64], strides = [1, 1]} : vector<384x768xf32> to vector<384x64xf32>
    %transpose3A = tpu.transpose %slice3A_28, [1, 0] : vector<384x64xf32> -> vector<64x384xf32>
    %dot_general3A_29 = arith.constant dense<0.000000e+00> : vector<256x384xf32>
    %dot_general3A_30 = tpu.matmul %slice3A, %transpose3A, %dot_general3A_29 {dimension_numbers = #tpu.dot_dimension_numbers<[1], [0], [0], [1], [0, 0, 1, 1], [], []>, transpose_lhs_hint = false} : vector<256x64xf32>, vector<64x384xf32>, vector<256x384xf32> -> vector<256x384xf32>
    %add3A_31 = arith.addf %dot_general3A_30, %get3A_11 : vector<256x384xf32>
    %reduce_max3A = arith.constant dense<0xFF800000> : vector<256xf32>
    %reduce_max3A_32 = vector.multi_reduction <maximumf>, %add3A_31, %reduce_max3A [1] : vector<256x384xf32> to vector<256xf32>
    %broadcast_in_dim3A_33 = vector.shape_cast %reduce_max3A_32 : vector<256xf32> to vector<256x1xf32>
    %sub3A = vector.broadcast %broadcast_in_dim3A_33 : vector<256x1xf32> to vector<256x384xf32>
    %sub3A_34 = arith.subf %add3A_31, %sub3A : vector<256x384xf32>
    %exp3A = math.exp %sub3A_34 : vector<256x384xf32>
    %slice3A_35 = vector.extract_strided_slice %get3A_8 {offsets = [0, 0], sizes = [384, 64], strides = [1, 1]} : vector<384x768xf32> to vector<384x64xf32>
    %dot_general3A_36 = arith.constant dense<0.000000e+00> : vector<256x64xf32>
    %dot_general3A_37 = tpu.matmul %exp3A, %slice3A_35, %dot_general3A_36 {dimension_numbers = #tpu.dot_dimension_numbers<[1], [0], [0], [1], [0, 0, 1, 1], [], []>, transpose_lhs_hint = false} : vector<256x384xf32>, vector<384x64xf32>, vector<256x64xf32> -> vector<256x64xf32>
    %reduce_sum3A = arith.constant dense<0.000000e+00> : vector<256xf32>
    %reduce_sum3A_38 = vector.multi_reduction <add>, %exp3A, %reduce_sum3A [1] : vector<256x384xf32> to vector<256xf32>
    %broadcast_in_dim3A_39 = vector.shape_cast %reduce_sum3A_38 : vector<256xf32> to vector<256x1xf32>
    %div3A = vector.broadcast %broadcast_in_dim3A_39 : vector<256x1xf32> to vector<256x64xf32>
    %div3A_40 = arith.divf %dot_general3A_37, %div3A : vector<256x64xf32>
    %swap3A = arith.constant 0 : index
    %swap3A_41 = arith.constant 0 : index
    %swap3A_42 = vector.load %arg11[%swap3A, %swap3A_41] : memref<256x768xf32, #tpu.memory_space<vmem>>, vector<256x64xf32>
    tpu.vector_store %arg11[%swap3A, %swap3A_41], %div3A_40 {strides = array<i32>} : memref<256x768xf32, #tpu.memory_space<vmem>>, vector<256x64xf32>,
    %slice3A_43 = vector.extract_strided_slice %mul3A_27 {offsets = [0, 64], sizes = [256, 64], strides = [1, 1]} : vector<256x768xf32> to vector<256x64xf32>
    %slice3A_44 = vector.extract_strided_slice %get3A_5 {offsets = [0, 64], sizes = [384, 64], strides = [1, 1]} : vector<384x768xf32> to vector<384x64xf32>
    %transpose3A_45 = tpu.transpose %slice3A_44, [1, 0] : vector<384x64xf32> -> vector<64x384xf32>
    %dot_general3A_46 = arith.constant dense<0.000000e+00> : vector<256x384xf32>
    %dot_general3A_47 = tpu.matmul %slice3A_43, %transpose3A_45, %dot_general3A_46 {dimension_numbers = #tpu.dot_dimension_numbers<[1], [0], [0], [1], [0, 0, 1, 1], [], []>, transpose_lhs_hint = false} : vector<256x64xf32>, vector<64x384xf32>, vector<256x384xf32> -> vector<256x384xf32>
    %add3A_48 = arith.addf %dot_general3A_47, %get3A_11 : vector<256x384xf32>
    %reduce_max3A_49 = arith.constant dense<0xFF800000> : vector<256xf32>
    %reduce_max3A_50 = vector.multi_reduction <maximumf>, %add3A_48, %reduce_max3A_49 [1] : vector<256x384xf32> to vector<256xf32>
    %broadcast_in_dim3A_51 = vector.shape_cast %reduce_max3A_50 : vector<256xf32> to vector<256x1xf32>
    %sub3A_52 = vector.broadcast %broadcast_in_dim3A_51 : vector<256x1xf32> to vector<256x384xf32>
    %sub3A_53 = arith.subf %add3A_48, %sub3A_52 : vector<256x384xf32>
    %exp3A_54 = math.exp %sub3A_53 : vector<256x384xf32>
    %slice3A_55 = vector.extract_strided_slice %get3A_8 {offsets = [0, 64], sizes = [384, 64], strides = [1, 1]} : vector<384x768xf32> to vector<384x64xf32>
    %dot_general3A_56 = arith.constant dense<0.000000e+00> : vector<256x64xf32>
    %dot_general3A_57 = tpu.matmul %exp3A_54, %slice3A_55, %dot_general3A_56 {dimension_numbers = #tpu.dot_dimension_numbers<[1], [0], [0], [1], [0, 0, 1, 1], [], []>, transpose_lhs_hint = false} : vector<256x384xf32>, vector<384x64xf32>, vector<256x64xf32> -> vector<256x64xf32>
    %reduce_sum3A_58 = arith.constant dense<0.000000e+00> : vector<256xf32>
    %reduce_sum3A_59 = vector.multi_reduction <add>, %exp3A_54, %reduce_sum3A_58 [1] : vector<256x384xf32> to vector<256xf32>
    %broadcast_in_dim3A_60 = vector.shape_cast %reduce_sum3A_59 : vector<256xf32> to vector<256x1xf32>
    %div3A_61 = vector.broadcast %broadcast_in_dim3A_60 : vector<256x1xf32> to vector<256x64xf32>
    %div3A_62 = arith.divf %dot_general3A_57, %div3A_61 : vector<256x64xf32>
    %swap3A_63 = arith.constant 0 : index
    %swap3A_64 = arith.constant 64 : index
    %swap3A_65 = vector.load %arg11[%swap3A_63, %swap3A_64] : memref<256x768xf32, #tpu.memory_space<vmem>>, vector<256x64xf32>
    tpu.vector_store %arg11[%swap3A_63, %swap3A_64], %div3A_62 {strides = array<i32>} : memref<256x768xf32, #tpu.memory_space<vmem>>, vector<256x64xf32>,
    %slice3A_66 = vector.extract_strided_slice %mul3A_27 {offsets = [0, 128], sizes = [256, 64], strides = [1, 1]} : vector<256x768xf32> to vector<256x64xf32>
    %slice3A_67 = vector.extract_strided_slice %get3A_5 {offsets = [0, 128], sizes = [384, 64], strides = [1, 1]} : vector<384x768xf32> to vector<384x64xf32>
    %transpose3A_68 = tpu.transpose %slice3A_67, [1, 0] : vector<384x64xf32> -> vector<64x384xf32>
    %dot_general3A_69 = arith.constant dense<0.000000e+00> : vector<256x384xf32>
    %dot_general3A_70 = tpu.matmul %slice3A_66, %transpose3A_68, %dot_general3A_69 {dimension_numbers = #tpu.dot_dimension_numbers<[1], [0], [0], [1], [0, 0, 1, 1], [], []>, transpose_lhs_hint = false} : vector<256x64xf32>, vector<64x384xf32>, vector<256x384xf32> -> vector<256x384xf32>
    %add3A_71 = arith.addf %dot_general3A_70, %get3A_11 : vector<256x384xf32>
    %reduce_max3A_72 = arith.constant dense<0xFF800000> : vector<256xf32>
    %reduce_max3A_73 = vector.multi_reduction <maximumf>, %add3A_71, %reduce_max3A_72 [1] : vector<256x384xf32> to vector<256xf32>
    %broadcast_in_dim3A_74 = vector.shape_cast %reduce_max3A_73 : vector<256xf32> to vector<256x1xf32>
    %sub3A_75 = vector.broadcast %broadcast_in_dim3A_74 : vector<256x1xf32> to vector<256x384xf32>
    %sub3A_76 = arith.subf %add3A_71, %sub3A_75 : vector<256x384xf32>
    %exp3A_77 = math.exp %sub3A_76 : vector<256x384xf32>
    %slice3A_78 = vector.extract_strided_slice %get3A_8 {offsets = [0, 128], sizes = [384, 64], strides = [1, 1]} : vector<384x768xf32> to vector<384x64xf32>
    %dot_general3A_79 = arith.constant dense<0.000000e+00> : vector<256x64xf32>
    %dot_general3A_80 = tpu.matmul %exp3A_77, %slice3A_78, %dot_general3A_79 {dimension_numbers = #tpu.dot_dimension_numbers<[1], [0], [0], [1], [0, 0, 1, 1], [], []>, transpose_lhs_hint = false} : vector<256x384xf32>, vector<384x64xf32>, vector<256x64xf32> -> vector<256x64xf32>
    %reduce_sum3A_81 = arith.constant dense<0.000000e+00> : vector<256xf32>
    %reduce_sum3A_82 = vector.multi_reduction <add>, %exp3A_77, %reduce_sum3A_81 [1] : vector<256x384xf32> to vector<256xf32>
    %broadcast_in_dim3A_83 = vector.shape_cast %reduce_sum3A_82 : vector<256xf32> to vector<256x1xf32>
    %div3A_84 = vector.broadcast %broadcast_in_dim3A_83 : vector<256x1xf32> to vector<256x64xf32>
    %div3A_85 = arith.divf %dot_general3A_80, %div3A_84 : vector<256x64xf32>
    %swap3A_86 = arith.constant 0 : index
    %swap3A_87 = arith.constant 128 : index
    %swap3A_88 = vector.load %arg11[%swap3A_86, %swap3A_87] : memref<256x768xf32, #tpu.memory_space<vmem>>, vector<256x64xf32>
    tpu.vector_store %arg11[%swap3A_86, %swap3A_87], %div3A_85 {strides = array<i32>} : memref<256x768xf32, #tpu.memory_space<vmem>>, vector<256x64xf32>,
    %slice3A_89 = vector.extract_strided_slice %mul3A_27 {offsets = [0, 192], sizes = [256, 64], strides = [1, 1]} : vector<256x768xf32> to vector<256x64xf32>
    %slice3A_90 = vector.extract_strided_slice %get3A_5 {offsets = [0, 192], sizes = [384, 64], strides = [1, 1]} : vector<384x768xf32> to vector<384x64xf32>
    %transpose3A_91 = tpu.transpose %slice3A_90, [1, 0] : vector<384x64xf32> -> vector<64x384xf32>
    %dot_general3A_92 = arith.constant dense<0.000000e+00> : vector<256x384xf32>
    %dot_general3A_93 = tpu.matmul %slice3A_89, %transpose3A_91, %dot_general3A_92 {dimension_numbers = #tpu.dot_dimension_numbers<[1], [0], [0], [1], [0, 0, 1, 1], [], []>, transpose_lhs_hint = false} : vector<256x64xf32>, vector<64x384xf32>, vector<256x384xf32> -> vector<256x384xf32>
    %add3A_94 = arith.addf %dot_general3A_93, %get3A_11 : vector<256x384xf32>
    %reduce_max3A_95 = arith.constant dense<0xFF800000> : vector<256xf32>
    %reduce_max3A_96 = vector.multi_reduction <maximumf>, %add3A_94, %reduce_max3A_95 [1] : vector<256x384xf32> to vector<256xf32>
    %broadcast_in_dim3A_97 = vector.shape_cast %reduce_max3A_96 : vector<256xf32> to vector<256x1xf32>
    %sub3A_98 = vector.broadcast %broadcast_in_dim3A_97 : vector<256x1xf32> to vector<256x384xf32>
    %sub3A_99 = arith.subf %add3A_94, %sub3A_98 : vector<256x384xf32>
    %exp3A_100 = math.exp %sub3A_99 : vector<256x384xf32>
    %slice3A_101 = vector.extract_strided_slice %get3A_8 {offsets = [0, 192], sizes = [384, 64], strides = [1, 1]} : vector<384x768xf32> to vector<384x64xf32>
    %dot_general3A_102 = arith.constant dense<0.000000e+00> : vector<256x64xf32>
    %dot_general3A_103 = tpu.matmul %exp3A_100, %slice3A_101, %dot_general3A_102 {dimension_numbers = #tpu.dot_dimension_numbers<[1], [0], [0], [1], [0, 0, 1, 1], [], []>, transpose_lhs_hint = false} : vector<256x384xf32>, vector<384x64xf32>, vector<256x64xf32> -> vector<256x64xf32>
    %reduce_sum3A_104 = arith.constant dense<0.000000e+00> : vector<256xf32>
    %reduce_sum3A_105 = vector.multi_reduction <add>, %exp3A_100, %reduce_sum3A_104 [1] : vector<256x384xf32> to vector<256xf32>
    %broadcast_in_dim3A_106 = vector.shape_cast %reduce_sum3A_105 : vector<256xf32> to vector<256x1xf32>
    %div3A_107 = vector.broadcast %broadcast_in_dim3A_106 : vector<256x1xf32> to vector<256x64xf32>
    %div3A_108 = arith.divf %dot_general3A_103, %div3A_107 : vector<256x64xf32>
    %swap3A_109 = arith.constant 0 : index
    %swap3A_110 = arith.constant 192 : index
    %swap3A_111 = vector.load %arg11[%swap3A_109, %swap3A_110] : memref<256x768xf32, #tpu.memory_space<vmem>>, vector<256x64xf32>
    tpu.vector_store %arg11[%swap3A_109, %swap3A_110], %div3A_108 {strides = array<i32>} : memref<256x768xf32, #tpu.memory_space<vmem>>, vector<256x64xf32>,
    %slice3A_112 = vector.extract_strided_slice %mul3A_27 {offsets = [0, 256], sizes = [256, 64], strides = [1, 1]} : vector<256x768xf32> to vector<256x64xf32>
    %slice3A_113 = vector.extract_strided_slice %get3A_5 {offsets = [0, 256], sizes = [384, 64], strides = [1, 1]} : vector<384x768xf32> to vector<384x64xf32>
    %transpose3A_114 = tpu.transpose %slice3A_113, [1, 0] : vector<384x64xf32> -> vector<64x384xf32>
    %dot_general3A_115 = arith.constant dense<0.000000e+00> : vector<256x384xf32>
    %dot_general3A_116 = tpu.matmul %slice3A_112, %transpose3A_114, %dot_general3A_115 {dimension_numbers = #tpu.dot_dimension_numbers<[1], [0], [0], [1], [0, 0, 1, 1], [], []>, transpose_lhs_hint = false} : vector<256x64xf32>, vector<64x384xf32>, vector<256x384xf32> -> vector<256x384xf32>
    %add3A_117 = arith.addf %dot_general3A_116, %get3A_11 : vector<256x384xf32>
    %reduce_max3A_118 = arith.constant dense<0xFF800000> : vector<256xf32>
    %reduce_max3A_119 = vector.multi_reduction <maximumf>, %add3A_117, %reduce_max3A_118 [1] : vector<256x384xf32> to vector<256xf32>
    %broadcast_in_dim3A_120 = vector.shape_cast %reduce_max3A_119 : vector<256xf32> to vector<256x1xf32>
    %sub3A_121 = vector.broadcast %broadcast_in_dim3A_120 : vector<256x1xf32> to vector<256x384xf32>
    %sub3A_122 = arith.subf %add3A_117, %sub3A_121 : vector<256x384xf32>
    %exp3A_123 = math.exp %sub3A_122 : vector<256x384xf32>
    %slice3A_124 = vector.extract_strided_slice %get3A_8 {offsets = [0, 256], sizes = [384, 64], strides = [1, 1]} : vector<384x768xf32> to vector<384x64xf32>
    %dot_general3A_125 = arith.constant dense<0.000000e+00> : vector<256x64xf32>
    %dot_general3A_126 = tpu.matmul %exp3A_123, %slice3A_124, %dot_general3A_125 {dimension_numbers = #tpu.dot_dimension_numbers<[1], [0], [0], [1], [0, 0, 1, 1], [], []>, transpose_lhs_hint = false} : vector<256x384xf32>, vector<384x64xf32>, vector<256x64xf32> -> vector<256x64xf32>
    %reduce_sum3A_127 = arith.constant dense<0.000000e+00> : vector<256xf32>
    %reduce_sum3A_128 = vector.multi_reduction <add>, %exp3A_123, %reduce_sum3A_127 [1] : vector<256x384xf32> to vector<256xf32>
    %broadcast_in_dim3A_129 = vector.shape_cast %reduce_sum3A_128 : vector<256xf32> to vector<256x1xf32>
    %div3A_130 = vector.broadcast %broadcast_in_dim3A_129 : vector<256x1xf32> to vector<256x64xf32>
    %div3A_131 = arith.divf %dot_general3A_126, %div3A_130 : vector<256x64xf32>
    %swap3A_132 = arith.constant 0 : index
    %swap3A_133 = arith.constant 256 : index
    %swap3A_134 = vector.load %arg11[%swap3A_132, %swap3A_133] : memref<256x768xf32, #tpu.memory_space<vmem>>, vector<256x64xf32>
    tpu.vector_store %arg11[%swap3A_132, %swap3A_133], %div3A_131 {strides = array<i32>} : memref<256x768xf32, #tpu.memory_space<vmem>>, vector<256x64xf32>,
    %slice3A_135 = vector.extract_strided_slice %mul3A_27 {offsets = [0, 320], sizes = [256, 64], strides = [1, 1]} : vector<256x768xf32> to vector<256x64xf32>
    %slice3A_136 = vector.extract_strided_slice %get3A_5 {offsets = [0, 320], sizes = [384, 64], strides = [1, 1]} : vector<384x768xf32> to vector<384x64xf32>
    %transpose3A_137 = tpu.transpose %slice3A_136, [1, 0] : vector<384x64xf32> -> vector<64x384xf32>
    %dot_general3A_138 = arith.constant dense<0.000000e+00> : vector<256x384xf32>
    %dot_general3A_139 = tpu.matmul %slice3A_135, %transpose3A_137, %dot_general3A_138 {dimension_numbers = #tpu.dot_dimension_numbers<[1], [0], [0], [1], [0, 0, 1, 1], [], []>, transpose_lhs_hint = false} : vector<256x64xf32>, vector<64x384xf32>, vector<256x384xf32> -> vector<256x384xf32>
    %add3A_140 = arith.addf %dot_general3A_139, %get3A_11 : vector<256x384xf32>
    %reduce_max3A_141 = arith.constant dense<0xFF800000> : vector<256xf32>
    %reduce_max3A_142 = vector.multi_reduction <maximumf>, %add3A_140, %reduce_max3A_141 [1] : vector<256x384xf32> to vector<256xf32>
    %broadcast_in_dim3A_143 = vector.shape_cast %reduce_max3A_142 : vector<256xf32> to vector<256x1xf32>
    %sub3A_144 = vector.broadcast %broadcast_in_dim3A_143 : vector<256x1xf32> to vector<256x384xf32>
    %sub3A_145 = arith.subf %add3A_140, %sub3A_144 : vector<256x384xf32>
    %exp3A_146 = math.exp %sub3A_145 : vector<256x384xf32>
    %slice3A_147 = vector.extract_strided_slice %get3A_8 {offsets = [0, 320], sizes = [384, 64], strides = [1, 1]} : vector<384x768xf32> to vector<384x64xf32>
    %dot_general3A_148 = arith.constant dense<0.000000e+00> : vector<256x64xf32>
    %dot_general3A_149 = tpu.matmul %exp3A_146, %slice3A_147, %dot_general3A_148 {dimension_numbers = #tpu.dot_dimension_numbers<[1], [0], [0], [1], [0, 0, 1, 1], [], []>, transpose_lhs_hint = false} : vector<256x384xf32>, vector<384x64xf32>, vector<256x64xf32> -> vector<256x64xf32>
    %reduce_sum3A_150 = arith.constant dense<0.000000e+00> : vector<256xf32>
    %reduce_sum3A_151 = vector.multi_reduction <add>, %exp3A_146, %reduce_sum3A_150 [1] : vector<256x384xf32> to vector<256xf32>
    %broadcast_in_dim3A_152 = vector.shape_cast %reduce_sum3A_151 : vector<256xf32> to vector<256x1xf32>
    %div3A_153 = vector.broadcast %broadcast_in_dim3A_152 : vector<256x1xf32> to vector<256x64xf32>
    %div3A_154 = arith.divf %dot_general3A_149, %div3A_153 : vector<256x64xf32>
    %swap3A_155 = arith.constant 0 : index
    %swap3A_156 = arith.constant 320 : index
    %swap3A_157 = vector.load %arg11[%swap3A_155, %swap3A_156] : memref<256x768xf32, #tpu.memory_space<vmem>>, vector<256x64xf32>
    tpu.vector_store %arg11[%swap3A_155, %swap3A_156], %div3A_154 {strides = array<i32>} : memref<256x768xf32, #tpu.memory_space<vmem>>, vector<256x64xf32>,
    %slice3A_158 = vector.extract_strided_slice %mul3A_27 {offsets = [0, 384], sizes = [256, 64], strides = [1, 1]} : vector<256x768xf32> to vector<256x64xf32>
    %slice3A_159 = vector.extract_strided_slice %get3A_5 {offsets = [0, 384], sizes = [384, 64], strides = [1, 1]} : vector<384x768xf32> to vector<384x64xf32>
    %transpose3A_160 = tpu.transpose %slice3A_159, [1, 0] : vector<384x64xf32> -> vector<64x384xf32>
    %dot_general3A_161 = arith.constant dense<0.000000e+00> : vector<256x384xf32>
    %dot_general3A_162 = tpu.matmul %slice3A_158, %transpose3A_160, %dot_general3A_161 {dimension_numbers = #tpu.dot_dimension_numbers<[1], [0], [0], [1], [0, 0, 1, 1], [], []>, transpose_lhs_hint = false} : vector<256x64xf32>, vector<64x384xf32>, vector<256x384xf32> -> vector<256x384xf32>
    %add3A_163 = arith.addf %dot_general3A_162, %get3A_11 : vector<256x384xf32>
    %reduce_max3A_164 = arith.constant dense<0xFF800000> : vector<256xf32>
    %reduce_max3A_165 = vector.multi_reduction <maximumf>, %add3A_163, %reduce_max3A_164 [1] : vector<256x384xf32> to vector<256xf32>
    %broadcast_in_dim3A_166 = vector.shape_cast %reduce_max3A_165 : vector<256xf32> to vector<256x1xf32>
    %sub3A_167 = vector.broadcast %broadcast_in_dim3A_166 : vector<256x1xf32> to vector<256x384xf32>
    %sub3A_168 = arith.subf %add3A_163, %sub3A_167 : vector<256x384xf32>
    %exp3A_169 = math.exp %sub3A_168 : vector<256x384xf32>
    %slice3A_170 = vector.extract_strided_slice %get3A_8 {offsets = [0, 384], sizes = [384, 64], strides = [1, 1]} : vector<384x768xf32> to vector<384x64xf32>
    %dot_general3A_171 = arith.constant dense<0.000000e+00> : vector<256x64xf32>
    %dot_general3A_172 = tpu.matmul %exp3A_169, %slice3A_170, %dot_general3A_171 {dimension_numbers = #tpu.dot_dimension_numbers<[1], [0], [0], [1], [0, 0, 1, 1], [], []>, transpose_lhs_hint = false} : vector<256x384xf32>, vector<384x64xf32>, vector<256x64xf32> -> vector<256x64xf32>
    %reduce_sum3A_173 = arith.constant dense<0.000000e+00> : vector<256xf32>
    %reduce_sum3A_174 = vector.multi_reduction <add>, %exp3A_169, %reduce_sum3A_173 [1] : vector<256x384xf32> to vector<256xf32>
    %broadcast_in_dim3A_175 = vector.shape_cast %reduce_sum3A_174 : vector<256xf32> to vector<256x1xf32>
    %div3A_176 = vector.broadcast %broadcast_in_dim3A_175 : vector<256x1xf32> to vector<256x64xf32>
    %div3A_177 = arith.divf %dot_general3A_172, %div3A_176 : vector<256x64xf32>
    %swap3A_178 = arith.constant 0 : index
    %swap3A_179 = arith.constant 384 : index
    %swap3A_180 = vector.load %arg11[%swap3A_178, %swap3A_179] : memref<256x768xf32, #tpu.memory_space<vmem>>, vector<256x64xf32>
    tpu.vector_store %arg11[%swap3A_178, %swap3A_179], %div3A_177 {strides = array<i32>} : memref<256x768xf32, #tpu.memory_space<vmem>>, vector<256x64xf32>,
    %slice3A_181 = vector.extract_strided_slice %mul3A_27 {offsets = [0, 448], sizes = [256, 64], strides = [1, 1]} : vector<256x768xf32> to vector<256x64xf32>
    %slice3A_182 = vector.extract_strided_slice %get3A_5 {offsets = [0, 448], sizes = [384, 64], strides = [1, 1]} : vector<384x768xf32> to vector<384x64xf32>
    %transpose3A_183 = tpu.transpose %slice3A_182, [1, 0] : vector<384x64xf32> -> vector<64x384xf32>
    %dot_general3A_184 = arith.constant dense<0.000000e+00> : vector<256x384xf32>
    %dot_general3A_185 = tpu.matmul %slice3A_181, %transpose3A_183, %dot_general3A_184 {dimension_numbers = #tpu.dot_dimension_numbers<[1], [0], [0], [1], [0, 0, 1, 1], [], []>, transpose_lhs_hint = false} : vector<256x64xf32>, vector<64x384xf32>, vector<256x384xf32> -> vector<256x384xf32>
    %add3A_186 = arith.addf %dot_general3A_185, %get3A_11 : vector<256x384xf32>
    %reduce_max3A_187 = arith.constant dense<0xFF800000> : vector<256xf32>
    %reduce_max3A_188 = vector.multi_reduction <maximumf>, %add3A_186, %reduce_max3A_187 [1] : vector<256x384xf32> to vector<256xf32>
    %broadcast_in_dim3A_189 = vector.shape_cast %reduce_max3A_188 : vector<256xf32> to vector<256x1xf32>
    %sub3A_190 = vector.broadcast %broadcast_in_dim3A_189 : vector<256x1xf32> to vector<256x384xf32>
    %sub3A_191 = arith.subf %add3A_186, %sub3A_190 : vector<256x384xf32>
    %exp3A_192 = math.exp %sub3A_191 : vector<256x384xf32>
    %slice3A_193 = vector.extract_strided_slice %get3A_8 {offsets = [0, 448], sizes = [384, 64], strides = [1, 1]} : vector<384x768xf32> to vector<384x64xf32>
    %dot_general3A_194 = arith.constant dense<0.000000e+00> : vector<256x64xf32>
    %dot_general3A_195 = tpu.matmul %exp3A_192, %slice3A_193, %dot_general3A_194 {dimension_numbers = #tpu.dot_dimension_numbers<[1], [0], [0], [1], [0, 0, 1, 1], [], []>, transpose_lhs_hint = false} : vector<256x384xf32>, vector<384x64xf32>, vector<256x64xf32> -> vector<256x64xf32>
    %reduce_sum3A_196 = arith.constant dense<0.000000e+00> : vector<256xf32>
    %reduce_sum3A_197 = vector.multi_reduction <add>, %exp3A_192, %reduce_sum3A_196 [1] : vector<256x384xf32> to vector<256xf32>
    %broadcast_in_dim3A_198 = vector.shape_cast %reduce_sum3A_197 : vector<256xf32> to vector<256x1xf32>
    %div3A_199 = vector.broadcast %broadcast_in_dim3A_198 : vector<256x1xf32> to vector<256x64xf32>
    %div3A_200 = arith.divf %dot_general3A_195, %div3A_199 : vector<256x64xf32>
    %swap3A_201 = arith.constant 0 : index
    %swap3A_202 = arith.constant 448 : index
    %swap3A_203 = vector.load %arg11[%swap3A_201, %swap3A_202] : memref<256x768xf32, #tpu.memory_space<vmem>>, vector<256x64xf32>
    tpu.vector_store %arg11[%swap3A_201, %swap3A_202], %div3A_200 {strides = array<i32>} : memref<256x768xf32, #tpu.memory_space<vmem>>, vector<256x64xf32>,
    %slice3A_204 = vector.extract_strided_slice %mul3A_27 {offsets = [0, 512], sizes = [256, 64], strides = [1, 1]} : vector<256x768xf32> to vector<256x64xf32>
    %slice3A_205 = vector.extract_strided_slice %get3A_5 {offsets = [0, 512], sizes = [384, 64], strides = [1, 1]} : vector<384x768xf32> to vector<384x64xf32>
    %transpose3A_206 = tpu.transpose %slice3A_205, [1, 0] : vector<384x64xf32> -> vector<64x384xf32>
    %dot_general3A_207 = arith.constant dense<0.000000e+00> : vector<256x384xf32>
    %dot_general3A_208 = tpu.matmul %slice3A_204, %transpose3A_206, %dot_general3A_207 {dimension_numbers = #tpu.dot_dimension_numbers<[1], [0], [0], [1], [0, 0, 1, 1], [], []>, transpose_lhs_hint = false} : vector<256x64xf32>, vector<64x384xf32>, vector<256x384xf32> -> vector<256x384xf32>
    %add3A_209 = arith.addf %dot_general3A_208, %get3A_11 : vector<256x384xf32>
    %reduce_max3A_210 = arith.constant dense<0xFF800000> : vector<256xf32>
    %reduce_max3A_211 = vector.multi_reduction <maximumf>, %add3A_209, %reduce_max3A_210 [1] : vector<256x384xf32> to vector<256xf32>
    %broadcast_in_dim3A_212 = vector.shape_cast %reduce_max3A_211 : vector<256xf32> to vector<256x1xf32>
    %sub3A_213 = vector.broadcast %broadcast_in_dim3A_212 : vector<256x1xf32> to vector<256x384xf32>
    %sub3A_214 = arith.subf %add3A_209, %sub3A_213 : vector<256x384xf32>
    %exp3A_215 = math.exp %sub3A_214 : vector<256x384xf32>
    %slice3A_216 = vector.extract_strided_slice %get3A_8 {offsets = [0, 512], sizes = [384, 64], strides = [1, 1]} : vector<384x768xf32> to vector<384x64xf32>
    %dot_general3A_217 = arith.constant dense<0.000000e+00> : vector<256x64xf32>
    %dot_general3A_218 = tpu.matmul %exp3A_215, %slice3A_216, %dot_general3A_217 {dimension_numbers = #tpu.dot_dimension_numbers<[1], [0], [0], [1], [0, 0, 1, 1], [], []>, transpose_lhs_hint = false} : vector<256x384xf32>, vector<384x64xf32>, vector<256x64xf32> -> vector<256x64xf32>
    %reduce_sum3A_219 = arith.constant dense<0.000000e+00> : vector<256xf32>
    %reduce_sum3A_220 = vector.multi_reduction <add>, %exp3A_215, %reduce_sum3A_219 [1] : vector<256x384xf32> to vector<256xf32>
    %broadcast_in_dim3A_221 = vector.shape_cast %reduce_sum3A_220 : vector<256xf32> to vector<256x1xf32>
    %div3A_222 = vector.broadcast %broadcast_in_dim3A_221 : vector<256x1xf32> to vector<256x64xf32>
    %div3A_223 = arith.divf %dot_general3A_218, %div3A_222 : vector<256x64xf32>
    %swap3A_224 = arith.constant 0 : index
    %swap3A_225 = arith.constant 512 : index
    %swap3A_226 = vector.load %arg11[%swap3A_224, %swap3A_225] : memref<256x768xf32, #tpu.memory_space<vmem>>, vector<256x64xf32>
    tpu.vector_store %arg11[%swap3A_224, %swap3A_225], %div3A_223 {strides = array<i32>} : memref<256x768xf32, #tpu.memory_space<vmem>>, vector<256x64xf32>,
    %slice3A_227 = vector.extract_strided_slice %mul3A_27 {offsets = [0, 576], sizes = [256, 64], strides = [1, 1]} : vector<256x768xf32> to vector<256x64xf32>
    %slice3A_228 = vector.extract_strided_slice %get3A_5 {offsets = [0, 576], sizes = [384, 64], strides = [1, 1]} : vector<384x768xf32> to vector<384x64xf32>
    %transpose3A_229 = tpu.transpose %slice3A_228, [1, 0] : vector<384x64xf32> -> vector<64x384xf32>
    %dot_general3A_230 = arith.constant dense<0.000000e+00> : vector<256x384xf32>
    %dot_general3A_231 = tpu.matmul %slice3A_227, %transpose3A_229, %dot_general3A_230 {dimension_numbers = #tpu.dot_dimension_numbers<[1], [0], [0], [1], [0, 0, 1, 1], [], []>, transpose_lhs_hint = false} : vector<256x64xf32>, vector<64x384xf32>, vector<256x384xf32> -> vector<256x384xf32>
    %add3A_232 = arith.addf %dot_general3A_231, %get3A_11 : vector<256x384xf32>
    %reduce_max3A_233 = arith.constant dense<0xFF800000> : vector<256xf32>
    %reduce_max3A_234 = vector.multi_reduction <maximumf>, %add3A_232, %reduce_max3A_233 [1] : vector<256x384xf32> to vector<256xf32>
    %broadcast_in_dim3A_235 = vector.shape_cast %reduce_max3A_234 : vector<256xf32> to vector<256x1xf32>
    %sub3A_236 = vector.broadcast %broadcast_in_dim3A_235 : vector<256x1xf32> to vector<256x384xf32>
    %sub3A_237 = arith.subf %add3A_232, %sub3A_236 : vector<256x384xf32>
    %exp3A_238 = math.exp %sub3A_237 : vector<256x384xf32>
    %slice3A_239 = vector.extract_strided_slice %get3A_8 {offsets = [0, 576], sizes = [384, 64], strides = [1, 1]} : vector<384x768xf32> to vector<384x64xf32>
    %dot_general3A_240 = arith.constant dense<0.000000e+00> : vector<256x64xf32>
    %dot_general3A_241 = tpu.matmul %exp3A_238, %slice3A_239, %dot_general3A_240 {dimension_numbers = #tpu.dot_dimension_numbers<[1], [0], [0], [1], [0, 0, 1, 1], [], []>, transpose_lhs_hint = false} : vector<256x384xf32>, vector<384x64xf32>, vector<256x64xf32> -> vector<256x64xf32>
    %reduce_sum3A_242 = arith.constant dense<0.000000e+00> : vector<256xf32>
    %reduce_sum3A_243 = vector.multi_reduction <add>, %exp3A_238, %reduce_sum3A_242 [1] : vector<256x384xf32> to vector<256xf32>
    %broadcast_in_dim3A_244 = vector.shape_cast %reduce_sum3A_243 : vector<256xf32> to vector<256x1xf32>
    %div3A_245 = vector.broadcast %broadcast_in_dim3A_244 : vector<256x1xf32> to vector<256x64xf32>
    %div3A_246 = arith.divf %dot_general3A_241, %div3A_245 : vector<256x64xf32>
    %swap3A_247 = arith.constant 0 : index
    %swap3A_248 = arith.constant 576 : index
    %swap3A_249 = vector.load %arg11[%swap3A_247, %swap3A_248] : memref<256x768xf32, #tpu.memory_space<vmem>>, vector<256x64xf32>
    tpu.vector_store %arg11[%swap3A_247, %swap3A_248], %div3A_246 {strides = array<i32>} : memref<256x768xf32, #tpu.memory_space<vmem>>, vector<256x64xf32>,
    %slice3A_250 = vector.extract_strided_slice %mul3A_27 {offsets = [0, 640], sizes = [256, 64], strides = [1, 1]} : vector<256x768xf32> to vector<256x64xf32>
    %slice3A_251 = vector.extract_strided_slice %get3A_5 {offsets = [0, 640], sizes = [384, 64], strides = [1, 1]} : vector<384x768xf32> to vector<384x64xf32>
    %transpose3A_252 = tpu.transpose %slice3A_251, [1, 0] : vector<384x64xf32> -> vector<64x384xf32>
    %dot_general3A_253 = arith.constant dense<0.000000e+00> : vector<256x384xf32>
    %dot_general3A_254 = tpu.matmul %slice3A_250, %transpose3A_252, %dot_general3A_253 {dimension_numbers = #tpu.dot_dimension_numbers<[1], [0], [0], [1], [0, 0, 1, 1], [], []>, transpose_lhs_hint = false} : vector<256x64xf32>, vector<64x384xf32>, vector<256x384xf32> -> vector<256x384xf32>
    %add3A_255 = arith.addf %dot_general3A_254, %get3A_11 : vector<256x384xf32>
    %reduce_max3A_256 = arith.constant dense<0xFF800000> : vector<256xf32>
    %reduce_max3A_257 = vector.multi_reduction <maximumf>, %add3A_255, %reduce_max3A_256 [1] : vector<256x384xf32> to vector<256xf32>
    %broadcast_in_dim3A_258 = vector.shape_cast %reduce_max3A_257 : vector<256xf32> to vector<256x1xf32>
    %sub3A_259 = vector.broadcast %broadcast_in_dim3A_258 : vector<256x1xf32> to vector<256x384xf32>
    %sub3A_260 = arith.subf %add3A_255, %sub3A_259 : vector<256x384xf32>
    %exp3A_261 = math.exp %sub3A_260 : vector<256x384xf32>
    %slice3A_262 = vector.extract_strided_slice %get3A_8 {offsets = [0, 640], sizes = [384, 64], strides = [1, 1]} : vector<384x768xf32> to vector<384x64xf32>
    %dot_general3A_263 = arith.constant dense<0.000000e+00> : vector<256x64xf32>
    %dot_general3A_264 = tpu.matmul %exp3A_261, %slice3A_262, %dot_general3A_263 {dimension_numbers = #tpu.dot_dimension_numbers<[1], [0], [0], [1], [0, 0, 1, 1], [], []>, transpose_lhs_hint = false} : vector<256x384xf32>, vector<384x64xf32>, vector<256x64xf32> -> vector<256x64xf32>
    %reduce_sum3A_265 = arith.constant dense<0.000000e+00> : vector<256xf32>
    %reduce_sum3A_266 = vector.multi_reduction <add>, %exp3A_261, %reduce_sum3A_265 [1] : vector<256x384xf32> to vector<256xf32>
    %broadcast_in_dim3A_267 = vector.shape_cast %reduce_sum3A_266 : vector<256xf32> to vector<256x1xf32>
    %div3A_268 = vector.broadcast %broadcast_in_dim3A_267 : vector<256x1xf32> to vector<256x64xf32>
    %div3A_269 = arith.divf %dot_general3A_264, %div3A_268 : vector<256x64xf32>
    %swap3A_270 = arith.constant 0 : index
    %swap3A_271 = arith.constant 640 : index
    %swap3A_272 = vector.load %arg11[%swap3A_270, %swap3A_271] : memref<256x768xf32, #tpu.memory_space<vmem>>, vector<256x64xf32>
    tpu.vector_store %arg11[%swap3A_270, %swap3A_271], %div3A_269 {strides = array<i32>} : memref<256x768xf32, #tpu.memory_space<vmem>>, vector<256x64xf32>,
    %slice3A_273 = vector.extract_strided_slice %mul3A_27 {offsets = [0, 704], sizes = [256, 64], strides = [1, 1]} : vector<256x768xf32> to vector<256x64xf32>
    %slice3A_274 = vector.extract_strided_slice %get3A_5 {offsets = [0, 704], sizes = [384, 64], strides = [1, 1]} : vector<384x768xf32> to vector<384x64xf32>
    %transpose3A_275 = tpu.transpose %slice3A_274, [1, 0] : vector<384x64xf32> -> vector<64x384xf32>
    %dot_general3A_276 = arith.constant dense<0.000000e+00> : vector<256x384xf32>
    %dot_general3A_277 = tpu.matmul %slice3A_273, %transpose3A_275, %dot_general3A_276 {dimension_numbers = #tpu.dot_dimension_numbers<[1], [0], [0], [1], [0, 0, 1, 1], [], []>, transpose_lhs_hint = false} : vector<256x64xf32>, vector<64x384xf32>, vector<256x384xf32> -> vector<256x384xf32>
    %add3A_278 = arith.addf %dot_general3A_277, %get3A_11 : vector<256x384xf32>
    %reduce_max3A_279 = arith.constant dense<0xFF800000> : vector<256xf32>
    %reduce_max3A_280 = vector.multi_reduction <maximumf>, %add3A_278, %reduce_max3A_279 [1] : vector<256x384xf32> to vector<256xf32>
    %broadcast_in_dim3A_281 = vector.shape_cast %reduce_max3A_280 : vector<256xf32> to vector<256x1xf32>
    %sub3A_282 = vector.broadcast %broadcast_in_dim3A_281 : vector<256x1xf32> to vector<256x384xf32>
    %sub3A_283 = arith.subf %add3A_278, %sub3A_282 : vector<256x384xf32>
    %exp3A_284 = math.exp %sub3A_283 : vector<256x384xf32>
    %slice3A_285 = vector.extract_strided_slice %get3A_8 {offsets = [0, 704], sizes = [384, 64], strides = [1, 1]} : vector<384x768xf32> to vector<384x64xf32>
    %dot_general3A_286 = arith.constant dense<0.000000e+00> : vector<256x64xf32>
    %dot_general3A_287 = tpu.matmul %exp3A_284, %slice3A_285, %dot_general3A_286 {dimension_numbers = #tpu.dot_dimension_numbers<[1], [0], [0], [1], [0, 0, 1, 1], [], []>, transpose_lhs_hint = false} : vector<256x384xf32>, vector<384x64xf32>, vector<256x64xf32> -> vector<256x64xf32>
    %reduce_sum3A_288 = arith.constant dense<0.000000e+00> : vector<256xf32>
    %reduce_sum3A_289 = vector.multi_reduction <add>, %exp3A_284, %reduce_sum3A_288 [1] : vector<256x384xf32> to vector<256xf32>
    %broadcast_in_dim3A_290 = vector.shape_cast %reduce_sum3A_289 : vector<256xf32> to vector<256x1xf32>
    %div3A_291 = vector.broadcast %broadcast_in_dim3A_290 : vector<256x1xf32> to vector<256x64xf32>
    %div3A_292 = arith.divf %dot_general3A_287, %div3A_291 : vector<256x64xf32>
    %swap3A_293 = arith.constant 0 : index
    %swap3A_294 = arith.constant 704 : index
    %swap3A_295 = vector.load %arg11[%swap3A_293, %swap3A_294] : memref<256x768xf32, #tpu.memory_space<vmem>>, vector<256x64xf32>
    tpu.vector_store %arg11[%swap3A_293, %swap3A_294], %div3A_292 {strides = array<i32>} : memref<256x768xf32, #tpu.memory_space<vmem>>, vector<256x64xf32>,
    %get3A_296 = arith.constant 0 : index
    %get3A_297 = arith.constant 0 : index
    %get3A_298 = vector.load %arg11[%get3A_296, %get3A_297] : memref<256x768xf32, #tpu.memory_space<vmem>>, vector<256x768xf32>
    %get3A_299 = arith.constant 0 : index
    %get3A_300 = arith.constant 0 : index
    %get3A_301 = vector.load %arg5[%get3A_299, %get3A_300] : memref<768x768xf32, #tpu.memory_space<vmem>>, vector<768x768xf32>
    %dot_general3A_302 = arith.constant dense<0.000000e+00> : vector<256x768xf32>
    %dot_general3A_303 = tpu.matmul %get3A_298, %get3A_301, %dot_general3A_302 {dimension_numbers = #tpu.dot_dimension_numbers<[1], [1], [0], [0], [0, 0, 1, 0], [], []>, transpose_lhs_hint = false} : vector<256x768xf32>, vector<768x768xf32>, vector<256x768xf32> -> vector<256x768xf32>
    %get3A_304 = arith.constant 0 : index
    %get3A_305 = arith.constant 0 : index
    %get3A_306 = vector.load %arg6[%get3A_304, %get3A_305] : memref<1x768xf32, #tpu.memory_space<vmem>>, vector<1x768xf32>
    %add3A_307 = vector.broadcast %get3A_306 : vector<1x768xf32> to vector<256x768xf32>
    %add3A_308 = arith.addf %dot_general3A_303, %add3A_307 : vector<256x768xf32>
    %swap3A_309 = arith.constant 0 : index
    %swap3A_310 = arith.constant 0 : index
    %swap3A_311 = vector.load %arg8[%swap3A_309, %swap3A_310] : memref<256x768xf32, #tpu.memory_space<vmem>>, vector<256x768xf32>
    tpu.vector_store %arg8[%swap3A_309, %swap3A_310], %add3A_308 {strides = array<i32>} : memref<256x768xf32, #tpu.memory_space<vmem>>, vector<256x768xf32>,
    return
  }
  func.func @transform_0(%arg0: i32) -> i32 {
    %c0_i32 = arith.constant 0 : i32
    %c0_i32_0 = arith.constant 0 : i32
    return %c0_i32 : i32
  }
  func.func @transform_1(%arg0: i32) -> (i32, i32) {
    %c0_i32 = arith.constant 0 : i32
    %c0_i32_0 = arith.constant 0 : i32
    %c0_i32_1 = arith.constant 0 : i32
    return %c0_i32, %c0_i32_0 : i32, i32
  }
  func.func @transform_2(%arg0: i32) -> (i32, i32) {
    %c0_i32 = arith.constant 0 : i32
    %c0_i32_0 = arith.constant 0 : i32
    %c0_i32_1 = arith.constant 0 : i32
    return %c0_i32, %c0_i32_0 : i32, i32
  }
  func.func @transform_3(%arg0: i32) -> (i32, i32) {
    %c0_i32 = arith.constant 0 : i32
    %c0_i32_0 = arith.constant 0 : i32
    %c0_i32_1 = arith.constant 0 : i32
    return %c0_i32, %c0_i32_0 : i32, i32
  }
  func.func @transform_4(%arg0: i32) -> (i32, i32) {
    %c0_i32 = arith.constant 0 : i32
    %c0_i32_0 = arith.constant 0 : i32
    %c0_i32_1 = arith.constant 0 : i32
    return %c0_i32, %c0_i32_0 : i32, i32
  }
  func.func @transform_5(%arg0: i32) -> (i32, i32) {
    %c0_i32 = arith.constant 0 : i32
    %c0_i32_0 = arith.constant 0 : i32
    %c0_i32_1 = arith.constant 0 : i32
    return %c0_i32, %c0_i32_0 : i32, i32
  }
  func.func @transform_6(%arg0: i32) -> (i32, i32) {
    %c0_i32 = arith.constant 0 : i32
    %c0_i32_0 = arith.constant 0 : i32
    return %arg0, %c0_i32 : i32, i32
  }
  func.func @transform_7(%arg0: i32) -> (i32, i32) {
    %c0_i32 = arith.constant 0 : i32
    %c0_i32_0 = arith.constant 0 : i32
    return %arg0, %c0_i32 : i32, i32
  }
}

</mosaic_0001>

<sc_bundles>
// kernel: kernel.5.cloned.1.call-start
scs
__scs_entry_jumppad:
0x0: {  	(pc) =	sbr.rel $0x88, $3  }
0x1: {  	(tag) =	ssettag $0x0;
	lr =	simm.s32 $0x1  }
0x2: {  	[smem:$0x3F9C] =	sst lr;
	_ =	strace $0xD0000000  }
0x3: {  	_ = 	snop  }
0x4: {  	_ = 	snop  }
0x5: {  	_ = 	snop  }
0x6: {  	_ = 	snop  }
0x7: {  	_ = 	snop  }
__scs_overlays_trampoline_lowered:
0x8: {  	[smem:$0x3FAB] =	sst s0  }
0x9: {  	[smem:$0x3FAC] =	sst s1  }
0xa: {  	[smem:$0x3FAD] =	sst s2  }
0xb: {  	[smem:$0x3FAE] =	sst s3  }
0xc: {  	[smem:$0x3FAF] =	sst s4  }
0xd: {  	[smem:$0x3FB0] =	sst s5  }
0xe: {  	[smem:$0x3FB1] =	sst s6  }
0xf: {  	[smem:$0x3FB2] =	sst s7  }
0x10: {  	[smem:$0x3FB3] =	sst s8  }
0x11: {  	[smem:$0x3FB4] =	sst s9;
	s0 =	simm.s32 @!p0 $0x0  }
0x12: {  	s1 =	sld [smem:$0x3F9A];
	s0 =	simm.s32 @p0 $0x1  }
0x13: {  	[smem:$0x3FB5] =	sst s0;
	s0 =	simm.s32 @!p1 $0x0  }
0x14: {  	s2 =	sld [smem:$0x3F99];
	s0 =	simm.s32 @p1 $0x1  }
0x15: {  	[smem:$0x3FB6] =	sst s0;
	s0 =	simm.s32 @!p2 $0x0  }
0x16: {  	s3 =	sld [smem:$0x3FDB];
	s0 =	simm.s32 @p2 $0x1  }
0x17: {  	s4 =	simm.s32 $0x1BF5;
	[smem:$0x3FB8] =	sst s0  }
0x18: {  	s0 =	sld [smem:$0x3F9B];
	_ =	swait.ge [sflag:s4], $0x0  }
0x19: {  	s7 =	sld [smem:$0x3F9C]  }
0x1a: {  	s8 =	sadd.s32 $0xFFFFE003, lr  }
0x1b: {  	s9 =	sadd.s32 $0xFFFFFEF7, lr;
	s5 =	simm.s32 $0xFFFFFFFF;
	p2 =	slt.u32 s8, $0xFFFFF086  }
0x1c: {  	p1 =	slt.u32 s9, $0xF7A;
	s5 =	simm.s32 @!p2 $0x0  }
0x1d: {  	s5 =	simm.s32 @p1 $0x1;
	p0 =	seq.s32 s7, s2  }
0x1e: {  	s7 =	smul.u32 @!p0 $0xF7A, s2;
	p2 =	seq.s32 @!p0 s5, $0x0  }
0x1f: {  	s9 =	smul.u32 $0xF7A, s1;
	s8 =	simm.s32 @!p0 $0x1BF5;
	p2 =	por !p2, p0  }
0x20: {  	[sflag:s8] =	ssyncset.s32 @!p0 $0xFFFFF086;
	s6 =	sadd.s32 @!p0 s3, s7;
	s7 =	simm.s32 @!p0 $0x108  }
0x21: {  	s3 =	sadd.s32 s3, s9;
	s6 =	sadd.s32 @!p0 $0x88, s6;
	s7 =	simm.s32 @p2 $0x1082  }
0x22: {  	[simem:s7], [sflag:s8] =	dma.local @!p0 [hbm:s6], $0xF7A  }
0x23: {  	s9 =	sor.u32 $0xD0000000, s2;
	s6 =	simm.s32 $0x108;
	_ =	swait.ge @!p0 [sflag:s8], $0x0  }
0x24: {  	s3 =	sadd.s32 $0x88, s3;
	s6 =	simm.s32 @!p1 $0x1082;
	[sflag:s4] =	ssyncset.s32 $0xFFFFF086  }
0x25: {  	[simem:s6], [sflag:s4] =	dma.local [hbm:s3], $0xF7A  }
0x26: {  	[smem:$0x3F9C] =	sst s1;
	(tag) =	ssettag s2;
	_ =	strace s9  }
0x27: {  	s1 =	sld [smem:$0x3FAC]  }
0x28: {  	s2 =	sld [smem:$0x3FAD]  }
0x29: {  	s4 =	sld [smem:$0x3FAF]  }
0x2a: {  	p0 =	seq.s32 s5, $0x0;
	s5 =	sld [smem:$0x3FB0]  }
0x2b: {  	s6 =	sld [smem:$0x3FB1]  }
0x2c: {  	s7 =	sld [smem:$0x3FB2]  }
0x2d: {  	s3 =	simm.s32 $0x108;
	s8 =	sld [smem:$0x3FB3]  }
0x2e: {  	s3 =	simm.s32 @!p0 $0x1082;
	s9 =	sld [smem:$0x3FB4]  }
0x2f: {  	lr =	sadd.s32 s0, s3;
	s0 =	sld [smem:$0x3FAB]  }
0x30: {  	s3 =	sld [smem:$0x3FAE]  }
0x31: {  	[smem:$0x3FB7] =	sst s10  }
0x32: {  	s10 =	sld [smem:$0x3FB5];
	_ =	sdelay $0x3  }
0x33: {  	p0 =	seq.s32 s10, $0x1;
	s10 =	sld [smem:$0x3FB7];
	_ =	sdelay $0x3  }
0x34: {  	[smem:$0x3FB7] =	sst s10  }
0x35: {  	s10 =	sld [smem:$0x3FB6];
	_ =	sdelay $0x3  }
0x36: {  	p1 =	seq.s32 s10, $0x1;
	s10 =	sld [smem:$0x3FB7];
	_ =	sdelay $0x3  }
0x37: {  	[smem:$0x3FB7] =	sst s10  }
0x38: {  	s10 =	sld [smem:$0x3FB8]  }
0x39: {  	_ = 	snop;
	(pc) =	sbr.ind lr, $3  }
0x3a: {  	_ = 	snop  }
0x3b: {  	_ = 	snop  }
0x3c: {  	p2 =	seq.s32 s10, $0x1;
	s10 =	sld [smem:$0x3FB7]  }
0x3d: {  	_ =	shalt  }
0x3e: {  	_ =	shalt  }
0x3f: {  	_ =	shalt  }
0x40: {  	_ =	shalt  }
0x41: {  	_ =	shalt  }
0x42: {  	_ =	shalt  }
0x43: {  	_ =	shalt  }
0x44: {  	_ =	shalt  }
0x45: {  	_ =	shalt  }
0x46: {  	_ =	shalt  }
0x47: {  	_ =	shalt  }
0x48: {  	_ =	shalt  }
0x49: {  	_ =	shalt  }
0x4a: {  	_ =	shalt  }
0x4b: {  	_ =	shalt  }
0x4c: {  	_ =	shalt  }
0x4d: {  	_ =	shalt  }
0x4e: {  	_ =	shalt  }
0x4f: {  	_ =	shalt  }
0x50: {  	_ =	shalt  }
0x51: {  	_ =	shalt  }
0x52: {  	_ =	shalt  }
0x53: {  	_ =	shalt  }
0x54: {  	_ =	shalt  }
0x55: {  	_ =	shalt  }
0x56: {  	_ =	shalt  }
0x57: {  	_ =	shalt  }
0x58: {  	_ =	shalt  }
0x59: {  	_ =	shalt  }
0x5a: {  	_ =	shalt  }
0x5b: {  	_ =	shalt  }
0x5c: {  	_ =	shalt  }
0x5d: {  	_ =	shalt  }
0x5e: {  	_ =	shalt  }
0x5f: {  	_ =	shalt  }
0x60: {  	_ =	shalt  }
0x61: {  	_ =	shalt  }
0x62: {  	_ =	shalt  }
0x63: {  	_ =	shalt  }
0x64: {  	_ =	shalt  }
0x65: {  	_ =	shalt  }
0x66: {  	_ =	shalt  }
0x67: {  	_ =	shalt  }
0x68: {  	_ =	shalt  }
0x69: {  	_ =	shalt  }
0x6a: {  	_ =	shalt  }
0x6b: {  	_ =	shalt  }
0x6c: {  	_ =	shalt  }
0x6d: {  	_ =	shalt  }
0x6e: {  	_ =	shalt  }
0x6f: {  	_ =	shalt  }
0x70: {  	_ =	shalt  }
0x71: {  	_ =	shalt  }
0x72: {  	_ =	shalt  }
0x73: {  	_ =	shalt  }
0x74: {  	_ =	shalt  }
0x75: {  	_ =	shalt  }
0x76: {  	_ =	shalt  }
0x77: {  	_ =	shalt  }
0x78: {  	_ =	shalt  }
0x79: {  	_ =	shalt  }
0x7a: {  	_ =	shalt  }
0x7b: {  	_ =	shalt  }
0x7c: {  	_ =	shalt  }
0x7d: {  	_ =	shalt  }
0x7e: {  	_ =	shalt  }
0x7f: {  	_ =	shalt  }
0x80: {  	_ =	shalt  }
0x81: {  	_ =	shalt  }
0x82: {  	_ =	shalt  }
0x83: {  	_ =	shalt  }
0x84: {  	_ =	shalt  }
0x85: {  	_ =	shalt  }
0x86: {  	_ =	shalt  }
0x87: {  	_ =	shalt  }
.Lfunc_end0:
.L_simem_size_0:
called_computation_lowered:
.L_overlay_start_0:
0x88: {  	s2 =	sld [smem:$0x3FD9]  }
0x89: {  	s3 =	sld [smem:$0x3FFE];
	_ =	sdelay $0x1  }
0x8a: {  	s1 =	srdreg.scid  }
0x8b: {  	s0 =	sand.u32 $0x1, s1  }
0x8c: {  	s17 =	sshll.u32 s0, $0xA;
	s2 =	sadd.s32 s3, s2  }
0x8d: {  	s2 =	sadd.s32 s2, s17  }
0x8e: {  	[smem:$0x3FC3] =	sst s2  }
0x8f: {  	_ = 	snop  }
0x90: {  	s2 =	sld [smem:$0x3FC9]  }
0x91: {  	s18 =	sld [smem:$0x3FD0];
	(tm) =	ssettm $0x1  }
0x92: {  	s4 =	sld [smem:$0x3FFB];
	_ =	sdelay $0x3  }
0x93: {  	_ =	strace s4  }
0x94: {  	s4 =	sld [smem:$0x3FFC];
	_ =	sdelay $0x3  }
0x95: {  	_ =	strace s4  }
0x96: {  	s4 =	sld [smem:$0x3FFD];
	_ =	sdelay $0x3  }
0x97: {  	_ =	strace s4  }
0x98: {  	_ =	strace $0x8FFFFFFF  }
0x99: {  	s19 =	sld [smem:$0x3FDB];
	_ =	sdelay $0x1  }
0x9a: {  	s5 =	simm.s32 $_scs_section_size  }
0x9b: {  	s6 =	simm.s32 $_size__tile_overlayer_lowered;
	s7 =	simm.s32 $_tile_overlayer_lowered  }
0x9c: {  	s22 =	simm.s32 $0x1BFF;
	s21 =	sshll.u32 s7, $0x1;
	s4 =	sadd.s32 s5, s19  }
0x9d: {  	s8 =	simm.s32 $0x0;
	s20 =	sshll.u32 s6, $0x1;
	s6 =	sadd.s32 s21, s4  }
0x9e: {  	[timem:s8], [sflag:s22] =	dma.local [hbm:s6], s20  }
0x9f: {  	_ =	swait.ge [sflag:s22], s20  }
0xa0: {  	s5 =	ssub.s32 $0x0, s20;
	[sflag:s22] =	ssyncset.done $0x0  }
0xa1: {  	[sflag:s22] =	ssyncadd.s32 s5;
	_ =	sdelay $0x1  }
0xa2: {  	s23 =	simm.s32 $0x1B8B  }
0xa3: {  	_ =	swait.ge [sflag:s23], $0x1  }
0xa4: {  	[sflag:s23] =	ssyncset.done $0x0  }
0xa5: {  	s25 =	simm.s32 $0x1B8E;
	s24 =	sld [smem:$0x3FFE];
	[sflag:s23] =	ssyncadd.s32 $0xFFFFFFFF  }
0xa6: {  	s26 =	simm.s32 $execute0_lowered;
	[smem:$0x3FD2] =	sst s25  }
0xa7: {  	s6 =	sshll.u32 s26, $0x1;
	_ =	strace $0x80000046;
	[dreg:$0x1] =	wrdreg $0xFFFFFFFF  }
0xa8: {  	s28 =	simm.s32 $_size_execute0_lowered;
	s4 =	sadd.s32 s4, s6;
	[dreg:$0x0] =	wrdreg $0x0  }
0xa9: {  	s6 =	sshll.u32 s28, $0x1;
	[dreg:$0x2] =	wrdreg s4  }
0xaa: {  	[dreg:$0x3] =	wrdreg s6  }
0xab: {  	[dreg:$0x4] =	wrdreg $0xC0  }
0xac: {  	_ =	task [dreg:s8], $0x5FFFF  }
0xad: {  	[dreg:$0x1] =	wrdreg $0xFFFFFFFF  }
0xae: {  	[dreg:$0x0] =	wrdreg $0x60  }
0xaf: {  	[dreg:$0x2] =	wrdreg s2  }
0xb0: {  	[dreg:$0x3] =	wrdreg s24  }
0xb1: {  	[dreg:$0x4] =	wrdreg s18  }
0xb2: {  	[dreg:$0x5] =	wrdreg $0x9  }
0xb3: {  	_ =	task.clear_ibuf [dreg:s8], $0x6FFFF;
	_ =	strace $0x90000046  }
0xb4: {  	s29 =	simm.s32 $0x9;
	_ =	strace $0x80000048  }
0xb5: {  	_ =	swait.ge [sflag:s29], $0x1  }
0xb6: {  	[sflag:s29] =	ssyncadd.s32 $0xFFFFFFFF  }
0xb7: {  	_ =	strace $0x90000048  }
0xb8: {  	_ =	sfence  }
0xb9: {  	s30 =	sld [smem:$0x0];
	_ =	sdelay $0x2  }
0xba: {  	s31 =	sshll.u32 s1, $0xD;
	s1 =	sshrl.u32 s1, $0x2  }
0xbb: {  	s3 =	sand.u32 $0x4000, s31;
	s1 =	sadd.s32 s1, s30  }
0xbc: {  	s0 =	sor.u32 s3, s0;
	s1 =	sshll.u32 s1, $0x11  }
0xbd: {  	s0 =	sor.u32 s1, s0  }
0xbe: {  	s0 =	sadd.s32 $0x8F2B, s0  }
0xbf: {  	[sflag:s0] =	ssyncadd.remote.s32 $0x1  }
0xc0: {  	_ =	sfence.sel $0xFFFF  }
0xc1: {  	[dreg:$0x0] =	wrdreg $0xFFFFFFFF;
	(pc) =	sbr.abs _section_cstart, $3  }
0xc2: {  	[dreg:$0x1] =	wrdreg $0xFFFFFFFF  }
0xc3: {  	_ =	task.clear_ibuf [dreg:s8], $0x2FFFF;
	_ =	strace $0x9FFFFFFF  }
0xc4: {  	(tm) =	ssettm $0x7FFFFFFF  }
0xc5: {  	_ =	shalt  }
tec
execute0_lowered:
.L_overlay_start_1:
0x0: {  	(tag) =	ssettag $0x1  }
0x1: {  	s1 =	rddreg [dreg:$0x0]  }
0x2: {  	s0 =	rddreg [dreg:$0x1]  }
0x3: {  	s5 =	rddreg [dreg:$0x2]  }
0x4: {  	s3 =	srdreg.scid;
	s2 =	stileid.u32;
	s8 =	simm.s32 $0x80  }
0x5: {  	s26 =	simm.s32 $0x880;
	s9 =	simm.s32 $0x1080;
	s10 =	simm.s32 $0x1880  }
0x6: {  	s11 =	simm.s32 $0x2080;
	s12 =	simm.s32 $0x2880;
	s13 =	simm.s32 $0x3080  }
0x7: {  	s14 =	simm.s32 $0x3880;
	s15 =	simm.s32 $0x4080;
	s16 =	simm.s32 $0x4880  }
0x8: {  	s17 =	simm.s32 $0x5080;
	s18 =	simm.s32 $0x5880;
	s19 =	simm.s32 $0x6080  }
0x9: {  	s20 =	simm.s32 $0x6880;
	s21 =	simm.s32 $0x7080;
	s22 =	simm.s32 $0x7880  }
0xa: {  	s23 =	simm.s32 $0x8080;
	s28 =	simm.s32 $0xA080;
	s29 =	simm.s32 $0xA880  }
0xb: {  	s30 =	simm.s32 $0xB080;
	s31 =	simm.s32 $0xB880;
	s4 =	sand.u32 $0x1, s3  }
0xc: {  	s3 =	simm.s32 $0x0;
	s6 =	sshll.u32 s2, $0x4;
	s7 =	sshll.u32 s4, $0x3  }
0xd: {  	[smem:$0x7FF] =	sst s3;
	s4 =	ssub.s32 $0x2, s4;
	s6 =	sor.u32 s7, s6  }
0xe: {  	s24 =	sshrl.u32 s4, $0x1;
	_ =	strace $0x80000047;
	[dreg:$0x6] =	wrdreg s26  }
0xf: {  	s26 =	simm.s32 $0x9880;
	s0 =	sadd.s32 s6, s0;
	s6 =	smul.u32 $0x300, s6  }
0x10: {  	s7 =	ssub.s32 s4, s24;
	s4 =	sadd.s32 $0x100, s1;
	s0 =	sadd.s32 $0x1800, s0  }
0x11: {  	v2 =	vlaneseq.u32;
	s24 =	simm.s32 $0x8880;
	[dreg:$0x4] =	wrdreg s0;
	s25 =	sadd.s32 s5, s6  }
0x12: {  	vm0 =	vmmov $0xffff;
	v1 =	vshrl.u32 v2, $0x3;
	s5 =	sadd.s32 $0x200, s1;
	s6 =	smax.u32 s7, $0x1;
	s7 =	simm.s32 $0x2  }
0x13: {  	v0 =	vand.u32 $0x7, v2;
	v2 =	vor.u32 $0x8, v2;
	v1 =	vmul.u32 $0x8, v1;
	s0 =	simm.s32 $0x1;
	[dreg:$0x5] =	wrdreg s25;
	s25 =	simm.s32 $0x9080  }
.LBB2_1:
0x14: {  	s2 =	rddreg [dreg:$0x4]  }
0x15: {  	[tilespmem:s3], [sflag:$0x2] =	stream.linear.gather [hbm4b:s2+s3], $0x40, $0x38;
	[tilespmem:$0xC080] =	vst v63  }
0x16: {  	_ =	swait.ge [sflag:s7], $0x40  }
0x17: {  	[sflag:s7] =	ssyncset.done $0x0  }
0x18: {  	[sflag:s7] =	ssyncadd.s32 $0xFFFFFFC0  }
0x19: {  	v3 =	vld [tilespmem:$0x0];
	_ =	sdelay $0x4  }
0x1a: {  	v4 =	vshrl.u32 v3, $0x3  }
0x1b: {  	v4 =	vmul.u32 $0x30, v4  }
0x1c: {  	v3 =	vand.u32 $0x7, v3  }
0x1d: {  	v3 =	vor.u32 v3, v4  }
0x1e: {  	v4 =	vperm.xlane v3, v0;
	_ =	sdelay $0x1  }
0x1f: {  	v4 =	vadd.s32 v1, v4;
	_ =	sdelay $0x3  }
0x20: {  	v3 =	vperm.xlane v3, v2  }
0x21: {  	[tilespmem:s8], [sflag:$0x1] =	stream.indirect_vreg.gather [hbm4b:s1+s3], $0x80, v4, vm0, $0xb8;
	[tilespmem:$0xC080] =	vst v63  }
0x22: {  	s2 =	rddreg [dreg:$0x6];
	v3 =	vadd.s32 v1, v3  }
0x23: {  	[tilespmem:s2], [sflag:$0x1] =	stream.indirect_vreg.gather [hbm4b:s4+s3], $0x80, v4, vm0, $0xb8;
	[tilespmem:$0xC080] =	vst v63  }
0x24: {  	_ = 	snop  }
0x25: {  	[tilespmem:s9], [sflag:$0x1] =	stream.indirect_vreg.gather [hbm4b:s5+s3], $0x80, v4, vm0, $0xb8;
	[tilespmem:$0xC080] =	vst v63  }
0x26: {  	_ = 	snop  }
0x27: {  	[tilespmem:s10], [sflag:$0x1] =	stream.indirect_vreg.gather [hbm4b:s1+s3], $0x80, v3, vm0, $0xb8;
	[tilespmem:$0xC080] =	vst v63  }
0x28: {  	_ = 	snop  }
0x29: {  	[tilespmem:s11], [sflag:$0x1] =	stream.indirect_vreg.gather [hbm4b:s4+s3], $0x80, v3, vm0, $0xb8;
	[tilespmem:$0xC080] =	vst v63  }
0x2a: {  	_ = 	snop  }
0x2b: {  	[tilespmem:s12], [sflag:$0x1] =	stream.indirect_vreg.gather [hbm4b:s5+s3], $0x80, v3, vm0, $0xb8;
	[tilespmem:$0xC080] =	vst v63  }
0x2c: {  	v3 =	vld [tilespmem:$0x10];
	_ =	sdelay $0x4  }
0x2d: {  	v61 =	vshrl.u32 v3, $0x3  }
0x2e: {  	v4 =	vmul.u32 $0x30, v61  }
0x2f: {  	v3 =	vand.u32 $0x7, v3  }
0x30: {  	v3 =	vor.u32 v3, v4  }
0x31: {  	v4 =	vperm.xlane v3, v0;
	_ =	sdelay $0x1  }
0x32: {  	v4 =	vadd.s32 v1, v4;
	_ =	sdelay $0x3  }
0x33: {  	v3 =	vperm.xlane v3, v2  }
0x34: {  	[tilespmem:s13], [sflag:$0x1] =	stream.indirect_vreg.gather [hbm4b:s1+s3], $0x80, v4, vm0, $0xb8;
	[tilespmem:$0xC080] =	vst v63  }
0x35: {  	v3 =	vadd.s32 v1, v3  }
0x36: {  	[tilespmem:s14], [sflag:$0x1] =	stream.indirect_vreg.gather [hbm4b:s4+s3], $0x80, v4, vm0, $0xb8;
	[tilespmem:$0xC080] =	vst v63  }
0x37: {  	_ = 	snop  }
0x38: {  	[tilespmem:s15], [sflag:$0x1] =	stream.indirect_vreg.gather [hbm4b:s5+s3], $0x80, v4, vm0, $0xb8;
	[tilespmem:$0xC080] =	vst v63  }
0x39: {  	_ = 	snop  }
0x3a: {  	[tilespmem:s16], [sflag:$0x1] =	stream.indirect_vreg.gather [hbm4b:s1+s3], $0x80, v3, vm0, $0xb8;
	[tilespmem:$0xC080] =	vst v63  }
0x3b: {  	_ = 	snop  }
0x3c: {  	[tilespmem:s17], [sflag:$0x1] =	stream.indirect_vreg.gather [hbm4b:s4+s3], $0x80, v3, vm0, $0xb8;
	[tilespmem:$0xC080] =	vst v63  }
0x3d: {  	_ = 	snop  }
0x3e: {  	[tilespmem:s18], [sflag:$0x1] =	stream.indirect_vreg.gather [hbm4b:s5+s3], $0x80, v3, vm0, $0xb8;
	[tilespmem:$0xC080] =	vst v63  }
0x3f: {  	v3 =	vld [tilespmem:$0x20];
	_ =	sdelay $0x4  }
0x40: {  	v62 =	vshrl.u32 v3, $0x3  }
0x41: {  	v4 =	vmul.u32 $0x30, v62  }
0x42: {  	v3 =	vand.u32 $0x7, v3  }
0x43: {  	v3 =	vor.u32 v3, v4  }
0x44: {  	v4 =	vperm.xlane v3, v0;
	_ =	sdelay $0x1  }
0x45: {  	v4 =	vadd.s32 v1, v4;
	_ =	sdelay $0x3  }
0x46: {  	v3 =	vperm.xlane v3, v2  }
0x47: {  	[tilespmem:s19], [sflag:$0x1] =	stream.indirect_vreg.gather [hbm4b:s1+s3], $0x80, v4, vm0, $0xb8;
	[tilespmem:$0xC080] =	vst v63  }
0x48: {  	v3 =	vadd.s32 v1, v3  }
0x49: {  	[tilespmem:s20], [sflag:$0x1] =	stream.indirect_vreg.gather [hbm4b:s4+s3], $0x80, v4, vm0, $0xb8;
	[tilespmem:$0xC080] =	vst v63  }
0x4a: {  	_ = 	snop  }
0x4b: {  	[tilespmem:s21], [sflag:$0x1] =	stream.indirect_vreg.gather [hbm4b:s5+s3], $0x80, v4, vm0, $0xb8;
	[tilespmem:$0xC080] =	vst v63  }
0x4c: {  	_ = 	snop  }
0x4d: {  	[tilespmem:s22], [sflag:$0x1] =	stream.indirect_vreg.gather [hbm4b:s1+s3], $0x80, v3, vm0, $0xb8;
	[tilespmem:$0xC080] =	vst v63  }
0x4e: {  	_ = 	snop  }
0x4f: {  	[tilespmem:s23], [sflag:$0x1] =	stream.indirect_vreg.gather [hbm4b:s4+s3], $0x80, v3, vm0, $0xb8;
	[tilespmem:$0xC080] =	vst v63  }
0x50: {  	_ = 	snop  }
0x51: {  	[tilespmem:s24], [sflag:$0x1] =	stream.indirect_vreg.gather [hbm4b:s5+s3], $0x80, v3, vm0, $0xb8;
	[tilespmem:$0xC080] =	vst v63  }
0x52: {  	v3 =	vld [tilespmem:$0x30];
	_ =	sdelay $0x4  }
0x53: {  	v63 =	vshrl.u32 v3, $0x3  }
0x54: {  	v4 =	vmul.u32 $0x30, v63  }
0x55: {  	v3 =	vand.u32 $0x7, v3  }
0x56: {  	v3 =	vor.u32 v3, v4  }
0x57: {  	v4 =	vperm.xlane v3, v0;
	_ =	sdelay $0x1  }
0x58: {  	v4 =	vadd.s32 v1, v4;
	_ =	sdelay $0x3  }
0x59: {  	v3 =	vperm.xlane v3, v2  }
0x5a: {  	[tilespmem:s25], [sflag:$0x1] =	stream.indirect_vreg.gather [hbm4b:s1+s3], $0x80, v4, vm0, $0xb8;
	[tilespmem:$0xC080] =	vst v63  }
0x5b: {  	v3 =	vadd.s32 v1, v3  }
0x5c: {  	[tilespmem:s26], [sflag:$0x1] =	stream.indirect_vreg.gather [hbm4b:s4+s3], $0x80, v4, vm0, $0xb8;
	[tilespmem:$0xC080] =	vst v63  }
0x5d: {  	_ = 	snop  }
0x5e: {  	[tilespmem:s28], [sflag:$0x1] =	stream.indirect_vreg.gather [hbm4b:s5+s3], $0x80, v4, vm0, $0xb8;
	[tilespmem:$0xC080] =	vst v63  }
0x5f: {  	_ = 	snop  }
0x60: {  	[tilespmem:s29], [sflag:$0x1] =	stream.indirect_vreg.gather [hbm4b:s1+s3], $0x80, v3, vm0, $0xb8;
	[tilespmem:$0xC080] =	vst v63  }
0x61: {  	_ = 	snop  }
0x62: {  	[tilespmem:s30], [sflag:$0x1] =	stream.indirect_vreg.gather [hbm4b:s4+s3], $0x80, v3, vm0, $0xb8;
	[tilespmem:$0xC080] =	vst v63  }
0x63: {  	_ = 	snop  }
0x64: {  	[tilespmem:s31], [sflag:$0x1] =	stream.indirect_vreg.gather [hbm4b:s5+s3], $0x80, v3, vm0, $0xb8;
	[tilespmem:$0xC080] =	vst v63  }
0x65: {  	_ =	swait.ge [sflag:s0], $0xC000  }
0x66: {  	p0 =	sne.s32 s6, $0x1;
	[sflag:s0] =	ssyncset.done $0x0  }
.Ltmp0:
0x67: {  	s2 =	rddreg [dreg:$0x5];
	[sflag:s0] =	ssyncadd.s32 $0xFFFF4000;
	(pc) =	sbr.rel @p0 .LBB2_1-.Ltmp0, $4  }
0x68: {  	[hbm4b:s2+s3] =	stream.linear.scatter [tilespmem:s8], [sflag:$0x2], $0xC000, $0x38;
	[tilespmem:$0xC080] =	vst v63  }
0x69: {  	_ =	swait.ge [sflag:s7], $0xC000  }
0x6a: {  	[sflag:s7] =	ssyncset.done $0x0  }
0x6b: {  	s6 =	sadd.s32 $0xFFFFFFFF, s6;
	[sflag:s7] =	ssyncadd.s32 $0xFFFF4000  }
0x6c: {  	_ =	sfence.sel $0x180000  }
0x6d: {  	[bflag:$0x0] =	sbarrier.arrive $0xFFFF  }
0x6e: {  	_ =	strace $0x90000047  }
0x6f: {  	s0 =	stileid.u32;
	[bflag:$0x2] =	sbarrier.arrive $0xFFFF  }
0x70: {  	p0 =	sne.s32 s0, $0x0;
	s0 =	rddreg [dreg:$0x3]  }
0x71: {  	s0 =	sadd.s32 @!p0 $0x100000, s0  }
0x72: {  	[sflag:s0] =	ssyncadd.tile.s32 @!p0 $0x1;
	_ =	shalt  }
.Lfunc_end2:
_tile_overlayer_lowered:
.L_overlay_start_2:
0x73: {  	(tag) =	ssettag $0x2  }
0x74: {  	s0 =	rddreg [dreg:$0x0];
	s2 =	stileid.u32  }
0x75: {  	s1 =	rddreg [dreg:$0x1];
	p0 =	sne.s32 s2, $0x0  }
0x76: {  	s3 =	rddreg [dreg:$0x2];
	[bflag:$0x3] =	sbarrier.arrive $0xFFFF;
	s2 =	simm.s32 @!p0 $0x1C02  }
0x77: {  	[timem:s3], [sflag:s2] =	dma.local @!p0 [hbm:s0], s1  }
0x78: {  	s0 =	simm.s32 @!p0 $0x2  }
0x79: {  	_ =	swait.ge @!p0 [sflag:s0], s1  }
0x7a: {  	s1 =	ssub.s32 @!p0 $0x0, s1;
	[sflag:s0] =	ssyncset.done @!p0 $0x0  }
0x7b: {  	[sflag:s0] =	ssyncadd.s32 @!p0 s1  }
0x7c: {  	[bflag:$0x3] =	sbarrier.arrive $0xFFFF  }
0x7d: {  	_ =	shalt  }

// kernel: kernel.8.cloned.1.call-start
scs
__scs_entry_jumppad:
0x0: {  	(pc) =	sbr.rel $0x88, $3  }
0x1: {  	(tag) =	ssettag $0x0;
	lr =	simm.s32 $0x1  }
0x2: {  	[smem:$0x3F9C] =	sst lr;
	_ =	strace $0xD0000000  }
0x3: {  	_ = 	snop  }
0x4: {  	_ = 	snop  }
0x5: {  	_ = 	snop  }
0x6: {  	_ = 	snop  }
0x7: {  	_ = 	snop  }
__scs_overlays_trampoline_lowered:
0x8: {  	[smem:$0x3FAB] =	sst s0  }
0x9: {  	[smem:$0x3FAC] =	sst s1  }
0xa: {  	[smem:$0x3FAD] =	sst s2  }
0xb: {  	[smem:$0x3FAE] =	sst s3  }
0xc: {  	[smem:$0x3FAF] =	sst s4  }
0xd: {  	[smem:$0x3FB0] =	sst s5  }
0xe: {  	[smem:$0x3FB1] =	sst s6  }
0xf: {  	[smem:$0x3FB2] =	sst s7  }
0x10: {  	[smem:$0x3FB3] =	sst s8  }
0x11: {  	[smem:$0x3FB4] =	sst s9;
	s0 =	simm.s32 @!p0 $0x0  }
0x12: {  	s1 =	sld [smem:$0x3F9A];
	s0 =	simm.s32 @p0 $0x1  }
0x13: {  	[smem:$0x3FB5] =	sst s0;
	s0 =	simm.s32 @!p1 $0x0  }
0x14: {  	s2 =	sld [smem:$0x3F99];
	s0 =	simm.s32 @p1 $0x1  }
0x15: {  	[smem:$0x3FB6] =	sst s0;
	s0 =	simm.s32 @!p2 $0x0  }
0x16: {  	s3 =	sld [smem:$0x3FDB];
	s0 =	simm.s32 @p2 $0x1  }
0x17: {  	s4 =	simm.s32 $0x1BF5;
	[smem:$0x3FB8] =	sst s0  }
0x18: {  	s0 =	sld [smem:$0x3F9B];
	_ =	swait.ge [sflag:s4], $0x0  }
0x19: {  	s7 =	sld [smem:$0x3F9C]  }
0x1a: {  	s8 =	sadd.s32 $0xFFFFE003, lr  }
0x1b: {  	s9 =	sadd.s32 $0xFFFFFEF7, lr;
	s5 =	simm.s32 $0xFFFFFFFF;
	p2 =	slt.u32 s8, $0xFFFFF086  }
0x1c: {  	p1 =	slt.u32 s9, $0xF7A;
	s5 =	simm.s32 @!p2 $0x0  }
0x1d: {  	s5 =	simm.s32 @p1 $0x1;
	p0 =	seq.s32 s7, s2  }
0x1e: {  	s7 =	smul.u32 @!p0 $0xF7A, s2;
	p2 =	seq.s32 @!p0 s5, $0x0  }
0x1f: {  	s9 =	smul.u32 $0xF7A, s1;
	s8 =	simm.s32 @!p0 $0x1BF5;
	p2 =	por !p2, p0  }
0x20: {  	[sflag:s8] =	ssyncset.s32 @!p0 $0xFFFFF086;
	s6 =	sadd.s32 @!p0 s3, s7;
	s7 =	simm.s32 @!p0 $0x108  }
0x21: {  	s3 =	sadd.s32 s3, s9;
	s6 =	sadd.s32 @!p0 $0x88, s6;
	s7 =	simm.s32 @p2 $0x1082  }
0x22: {  	[simem:s7], [sflag:s8] =	dma.local @!p0 [hbm:s6], $0xF7A  }
0x23: {  	s9 =	sor.u32 $0xD0000000, s2;
	s6 =	simm.s32 $0x108;
	_ =	swait.ge @!p0 [sflag:s8], $0x0  }
0x24: {  	s3 =	sadd.s32 $0x88, s3;
	s6 =	simm.s32 @!p1 $0x1082;
	[sflag:s4] =	ssyncset.s32 $0xFFFFF086  }
0x25: {  	[simem:s6], [sflag:s4] =	dma.local [hbm:s3], $0xF7A  }
0x26: {  	[smem:$0x3F9C] =	sst s1;
	(tag) =	ssettag s2;
	_ =	strace s9  }
0x27: {  	s1 =	sld [smem:$0x3FAC]  }
0x28: {  	s2 =	sld [smem:$0x3FAD]  }
0x29: {  	s4 =	sld [smem:$0x3FAF]  }
0x2a: {  	p0 =	seq.s32 s5, $0x0;
	s5 =	sld [smem:$0x3FB0]  }
0x2b: {  	s6 =	sld [smem:$0x3FB1]  }
0x2c: {  	s7 =	sld [smem:$0x3FB2]  }
0x2d: {  	s3 =	simm.s32 $0x108;
	s8 =	sld [smem:$0x3FB3]  }
0x2e: {  	s3 =	simm.s32 @!p0 $0x1082;
	s9 =	sld [smem:$0x3FB4]  }
0x2f: {  	lr =	sadd.s32 s0, s3;
	s0 =	sld [smem:$0x3FAB]  }
0x30: {  	s3 =	sld [smem:$0x3FAE]  }
0x31: {  	[smem:$0x3FB7] =	sst s10  }
0x32: {  	s10 =	sld [smem:$0x3FB5];
	_ =	sdelay $0x3  }
0x33: {  	p0 =	seq.s32 s10, $0x1;
	s10 =	sld [smem:$0x3FB7];
	_ =	sdelay $0x3  }
0x34: {  	[smem:$0x3FB7] =	sst s10  }
0x35: {  	s10 =	sld [smem:$0x3FB6];
	_ =	sdelay $0x3  }
0x36: {  	p1 =	seq.s32 s10, $0x1;
	s10 =	sld [smem:$0x3FB7];
	_ =	sdelay $0x3  }
0x37: {  	[smem:$0x3FB7] =	sst s10  }
0x38: {  	s10 =	sld [smem:$0x3FB8]  }
0x39: {  	_ = 	snop;
	(pc) =	sbr.ind lr, $3  }
0x3a: {  	_ = 	snop  }
0x3b: {  	_ = 	snop  }
0x3c: {  	p2 =	seq.s32 s10, $0x1;
	s10 =	sld [smem:$0x3FB7]  }
0x3d: {  	_ =	shalt  }
0x3e: {  	_ =	shalt  }
0x3f: {  	_ =	shalt  }
0x40: {  	_ =	shalt  }
0x41: {  	_ =	shalt  }
0x42: {  	_ =	shalt  }
0x43: {  	_ =	shalt  }
0x44: {  	_ =	shalt  }
0x45: {  	_ =	shalt  }
0x46: {  	_ =	shalt  }
0x47: {  	_ =	shalt  }
0x48: {  	_ =	shalt  }
0x49: {  	_ =	shalt  }
0x4a: {  	_ =	shalt  }
0x4b: {  	_ =	shalt  }
0x4c: {  	_ =	shalt  }
0x4d: {  	_ =	shalt  }
0x4e: {  	_ =	shalt  }
0x4f: {  	_ =	shalt  }
0x50: {  	_ =	shalt  }
0x51: {  	_ =	shalt  }
0x52: {  	_ =	shalt  }
0x53: {  	_ =	shalt  }
0x54: {  	_ =	shalt  }
0x55: {  	_ =	shalt  }
0x56: {  	_ =	shalt  }
0x57: {  	_ =	shalt  }
0x58: {  	_ =	shalt  }
0x59: {  	_ =	shalt  }
0x5a: {  	_ =	shalt  }
0x5b: {  	_ =	shalt  }
0x5c: {  	_ =	shalt  }
0x5d: {  	_ =	shalt  }
0x5e: {  	_ =	shalt  }
0x5f: {  	_ =	shalt  }
0x60: {  	_ =	shalt  }
0x61: {  	_ =	shalt  }
0x62: {  	_ =	shalt  }
0x63: {  	_ =	shalt  }
0x64: {  	_ =	shalt  }
0x65: {  	_ =	shalt  }
0x66: {  	_ =	shalt  }
0x67: {  	_ =	shalt  }
0x68: {  	_ =	shalt  }
0x69: {  	_ =	shalt  }
0x6a: {  	_ =	shalt  }
0x6b: {  	_ =	shalt  }
0x6c: {  	_ =	shalt  }
0x6d: {  	_ =	shalt  }
0x6e: {  	_ =	shalt  }
0x6f: {  	_ =	shalt  }
0x70: {  	_ =	shalt  }
0x71: {  	_ =	shalt  }
0x72: {  	_ =	shalt  }
0x73: {  	_ =	shalt  }
0x74: {  	_ =	shalt  }
0x75: {  	_ =	shalt  }
0x76: {  	_ =	shalt  }
0x77: {  	_ =	shalt  }
0x78: {  	_ =	shalt  }
0x79: {  	_ =	shalt  }
0x7a: {  	_ =	shalt  }
0x7b: {  	_ =	shalt  }
0x7c: {  	_ =	shalt  }
0x7d: {  	_ =	shalt  }
0x7e: {  	_ =	shalt  }
0x7f: {  	_ =	shalt  }
0x80: {  	_ =	shalt  }
0x81: {  	_ =	shalt  }
0x82: {  	_ =	shalt  }
0x83: {  	_ =	shalt  }
0x84: {  	_ =	shalt  }
0x85: {  	_ =	shalt  }
0x86: {  	_ =	shalt  }
0x87: {  	_ =	shalt  }
.Lfunc_end0:
.L_simem_size_0:
called_computation.1_lowered:
.L_overlay_start_0:
0x88: {  	s2 =	sld [smem:$0x3FD9]  }
0x89: {  	s3 =	sld [smem:$0x3FFE];
	_ =	sdelay $0x1  }
0x8a: {  	s1 =	srdreg.scid  }
0x8b: {  	s0 =	sand.u32 $0x1, s1  }
0x8c: {  	s17 =	sshll.u32 s0, $0xA;
	s2 =	sadd.s32 s3, s2  }
0x8d: {  	s2 =	sadd.s32 s2, s17  }
0x8e: {  	[smem:$0x3FC3] =	sst s2  }
0x8f: {  	_ = 	snop  }
0x90: {  	s2 =	sld [smem:$0x3FD0];
	(tm) =	ssettm $0x1  }
0x91: {  	s18 =	sld [smem:$0x3FFB];
	_ =	sdelay $0x3  }
0x92: {  	_ =	strace s18  }
0x93: {  	s3 =	sld [smem:$0x3FFC];
	_ =	sdelay $0x3  }
0x94: {  	_ =	strace s3  }
0x95: {  	s3 =	sld [smem:$0x3FFD];
	_ =	sdelay $0x3  }
0x96: {  	_ =	strace s3  }
0x97: {  	_ =	strace $0x8FFFFFFF  }
0x98: {  	s19 =	sld [smem:$0x3FDB];
	_ =	sdelay $0x1  }
0x99: {  	s4 =	simm.s32 $_scs_section_size  }
0x9a: {  	s5 =	simm.s32 $_size__tile_overlayer_lowered;
	s6 =	simm.s32 $_tile_overlayer_lowered  }
0x9b: {  	s22 =	simm.s32 $0x1BFF;
	s21 =	sshll.u32 s6, $0x1;
	s3 =	sadd.s32 s4, s19  }
0x9c: {  	s7 =	simm.s32 $0x0;
	s20 =	sshll.u32 s5, $0x1;
	s5 =	sadd.s32 s21, s3  }
0x9d: {  	[timem:s7], [sflag:s22] =	dma.local [hbm:s5], s20  }
0x9e: {  	_ =	swait.ge [sflag:s22], s20  }
0x9f: {  	s4 =	ssub.s32 $0x0, s20;
	[sflag:s22] =	ssyncset.done $0x0  }
0xa0: {  	[sflag:s22] =	ssyncadd.s32 s4;
	_ =	sdelay $0x1  }
0xa1: {  	s23 =	simm.s32 $0x1B8B  }
0xa2: {  	_ =	swait.ge [sflag:s23], $0x1  }
0xa3: {  	[sflag:s23] =	ssyncset.done $0x0  }
0xa4: {  	s25 =	simm.s32 $0x1B8E;
	s24 =	sld [smem:$0x3FFE];
	[sflag:s23] =	ssyncadd.s32 $0xFFFFFFFF  }
0xa5: {  	s26 =	simm.s32 $execute0_lowered;
	[smem:$0x3FD2] =	sst s25  }
0xa6: {  	s5 =	sshll.u32 s26, $0x1;
	_ =	strace $0x80000049;
	[dreg:$0x1] =	wrdreg $0xFFFFFFFF  }
0xa7: {  	s28 =	simm.s32 $_size_execute0_lowered;
	s3 =	sadd.s32 s3, s5;
	[dreg:$0x0] =	wrdreg $0x0  }
0xa8: {  	s5 =	sshll.u32 s28, $0x1;
	[dreg:$0x2] =	wrdreg s3  }
0xa9: {  	[dreg:$0x3] =	wrdreg s5  }
0xaa: {  	[dreg:$0x4] =	wrdreg $0xC0  }
0xab: {  	_ =	task [dreg:s7], $0x5FFFF  }
0xac: {  	[dreg:$0x1] =	wrdreg $0xFFFFFFFF  }
0xad: {  	[dreg:$0x0] =	wrdreg $0x60  }
0xae: {  	[dreg:$0x2] =	wrdreg s24  }
0xaf: {  	[dreg:$0x3] =	wrdreg s2  }
0xb0: {  	[dreg:$0x4] =	wrdreg $0x9  }
0xb1: {  	_ =	task.clear_ibuf [dreg:s7], $0x5FFFF;
	_ =	strace $0x90000049  }
0xb2: {  	s29 =	simm.s32 $0x9;
	_ =	strace $0x8000004B  }
0xb3: {  	_ =	swait.ge [sflag:s29], $0x1  }
0xb4: {  	[sflag:s29] =	ssyncadd.s32 $0xFFFFFFFF  }
0xb5: {  	_ =	strace $0x9000004B  }
0xb6: {  	_ =	sfence  }
0xb7: {  	s30 =	sld [smem:$0x0];
	_ =	sdelay $0x2  }
0xb8: {  	s31 =	sshll.u32 s1, $0xD;
	s1 =	sshrl.u32 s1, $0x2  }
0xb9: {  	s3 =	sand.u32 $0x4000, s31;
	s1 =	sadd.s32 s1, s30  }
0xba: {  	s0 =	sor.u32 s3, s0;
	s1 =	sshll.u32 s1, $0x11  }
0xbb: {  	s0 =	sor.u32 s1, s0  }
0xbc: {  	s0 =	sadd.s32 $0x8F2B, s0  }
0xbd: {  	[sflag:s0] =	ssyncadd.remote.s32 $0x1  }
0xbe: {  	_ =	sfence.sel $0xFFFF  }
0xbf: {  	[dreg:$0x0] =	wrdreg $0xFFFFFFFF;
	(pc) =	sbr.abs _section_cstart, $3  }
0xc0: {  	[dreg:$0x1] =	wrdreg $0xFFFFFFFF  }
0xc1: {  	_ =	task.clear_ibuf [dreg:s7], $0x2FFFF;
	_ =	strace $0x9FFFFFFF  }
0xc2: {  	(tm) =	ssettm $0x7FFFFFFF  }
0xc3: {  	_ =	shalt  }
tec
execute0_lowered:
.L_overlay_start_1:
0x0: {  	(tag) =	ssettag $0x1  }
0x1: {  	s0 =	rddreg [dreg:$0x0]  }
0x2: {  	s5 =	rddreg [dreg:$0x1];
	s3 =	srdreg.scid  }
0x3: {  	s2 =	simm.s32 $0x0;
	s1 =	stileid.u32;
	s26 =	simm.s32 $0x880  }
0x4: {  	s10 =	simm.s32 $0x1880;
	s11 =	simm.s32 $0x2080;
	s12 =	simm.s32 $0x2880  }
0x5: {  	s13 =	simm.s32 $0x3080;
	s14 =	simm.s32 $0x3880;
	s15 =	simm.s32 $0x4080  }
0x6: {  	s16 =	simm.s32 $0x4880;
	s17 =	simm.s32 $0x5080;
	s18 =	simm.s32 $0x5880  }
0x7: {  	s19 =	simm.s32 $0x6080;
	s20 =	simm.s32 $0x6880;
	s21 =	simm.s32 $0x7080  }
0x8: {  	s22 =	simm.s32 $0x7880;
	s28 =	simm.s32 $0xA080;
	s29 =	simm.s32 $0xA880  }
0x9: {  	s30 =	simm.s32 $0xB080;
	s31 =	simm.s32 $0xB880;
	s3 =	sand.u32 $0x1, s3  }
0xa: {  	[smem:$0x7FF] =	sst s2;
	s4 =	sshll.u32 s1, $0x4;
	s6 =	sshll.u32 s3, $0x3  }
0xb: {  	_ =	strace $0x8000004A;
	s23 =	ssub.s32 $0x2, s3;
	s3 =	sadd.s32 $0x1800, s0  }
0xc: {  	[dreg:$0x5] =	wrdreg s26;
	s26 =	simm.s32 $0x9880;
	s4 =	sor.u32 s6, s4  }
0xd: {  	s8 =	sshrl.u32 s23, $0x1;
	s7 =	sadd.s32 s4, s0;
	s9 =	smul.u32 $0x300, s4  }
0xe: {  	s6 =	ssub.s32 s23, s8;
	s4 =	sadd.s32 $0x1900, s0;
	s8 =	simm.s32 $0x80  }
0xf: {  	s23 =	simm.s32 $0x8080;
	s24 =	sadd.s32 $0x31800, s7;
	s6 =	smax.u32 s6, $0x1  }
0x10: {  	v2 =	vlaneseq.u32;
	s7 =	simm.s32 $0x2;
	[dreg:$0x3] =	wrdreg s24;
	s25 =	sadd.s32 s5, s9  }
0x11: {  	vm0 =	vmmov $0xffff;
	v1 =	vshrl.u32 v2, $0x3;
	s5 =	sadd.s32 $0x1A00, s0;
	s9 =	simm.s32 $0x1080;
	s24 =	simm.s32 $0x8880  }
0x12: {  	v0 =	vand.u32 $0x7, v2;
	v2 =	vor.u32 $0x8, v2;
	v1 =	vmul.u32 $0x8, v1;
	s0 =	simm.s32 $0x1;
	[dreg:$0x4] =	wrdreg s25;
	s25 =	simm.s32 $0x9080  }
.LBB2_1:
0x13: {  	s1 =	rddreg [dreg:$0x3]  }
0x14: {  	[tilespmem:s2], [sflag:$0x2] =	stream.linear.gather [hbm4b:s1+s2], $0x40, $0x38;
	[tilespmem:$0xC080] =	vst v63  }
0x15: {  	_ =	swait.ge [sflag:s7], $0x40  }
0x16: {  	[sflag:s7] =	ssyncset.done $0x0  }
0x17: {  	[sflag:s7] =	ssyncadd.s32 $0xFFFFFFC0  }
0x18: {  	v3 =	vld [tilespmem:$0x0];
	_ =	sdelay $0x4  }
0x19: {  	v4 =	vshrl.u32 v3, $0x3  }
0x1a: {  	v4 =	vmul.u32 $0x30, v4  }
0x1b: {  	v3 =	vand.u32 $0x7, v3  }
0x1c: {  	v3 =	vor.u32 v3, v4  }
0x1d: {  	v4 =	vperm.xlane v3, v0;
	_ =	sdelay $0x1  }
0x1e: {  	v4 =	vadd.s32 v1, v4;
	_ =	sdelay $0x3  }
0x1f: {  	v3 =	vperm.xlane v3, v2  }
0x20: {  	[tilespmem:s8], [sflag:$0x1] =	stream.indirect_vreg.gather [hbm4b:s3+s2], $0x80, v4, vm0, $0xb8;
	[tilespmem:$0xC080] =	vst v63  }
0x21: {  	s1 =	rddreg [dreg:$0x5];
	v3 =	vadd.s32 v1, v3  }
0x22: {  	[tilespmem:s1], [sflag:$0x1] =	stream.indirect_vreg.gather [hbm4b:s4+s2], $0x80, v4, vm0, $0xb8;
	[tilespmem:$0xC080] =	vst v63  }
0x23: {  	_ = 	snop  }
0x24: {  	[tilespmem:s9], [sflag:$0x1] =	stream.indirect_vreg.gather [hbm4b:s5+s2], $0x80, v4, vm0, $0xb8;
	[tilespmem:$0xC080] =	vst v63  }
0x25: {  	_ = 	snop  }
0x26: {  	[tilespmem:s10], [sflag:$0x1] =	stream.indirect_vreg.gather [hbm4b:s3+s2], $0x80, v3, vm0, $0xb8;
	[tilespmem:$0xC080] =	vst v63  }
0x27: {  	_ = 	snop  }
0x28: {  	[tilespmem:s11], [sflag:$0x1] =	stream.indirect_vreg.gather [hbm4b:s4+s2], $0x80, v3, vm0, $0xb8;
	[tilespmem:$0xC080] =	vst v63  }
0x29: {  	_ = 	snop  }
0x2a: {  	[tilespmem:s12], [sflag:$0x1] =	stream.indirect_vreg.gather [hbm4b:s5+s2], $0x80, v3, vm0, $0xb8;
	[tilespmem:$0xC080] =	vst v63  }
0x2b: {  	v3 =	vld [tilespmem:$0x10];
	_ =	sdelay $0x4  }
0x2c: {  	v61 =	vshrl.u32 v3, $0x3  }
0x2d: {  	v4 =	vmul.u32 $0x30, v61  }
0x2e: {  	v3 =	vand.u32 $0x7, v3  }
0x2f: {  	v3 =	vor.u32 v3, v4  }
0x30: {  	v4 =	vperm.xlane v3, v0;
	_ =	sdelay $0x1  }
0x31: {  	v4 =	vadd.s32 v1, v4;
	_ =	sdelay $0x3  }
0x32: {  	v3 =	vperm.xlane v3, v2  }
0x33: {  	[tilespmem:s13], [sflag:$0x1] =	stream.indirect_vreg.gather [hbm4b:s3+s2], $0x80, v4, vm0, $0xb8;
	[tilespmem:$0xC080] =	vst v63  }
0x34: {  	v3 =	vadd.s32 v1, v3  }
0x35: {  	[tilespmem:s14], [sflag:$0x1] =	stream.indirect_vreg.gather [hbm4b:s4+s2], $0x80, v4, vm0, $0xb8;
	[tilespmem:$0xC080] =	vst v63  }
0x36: {  	_ = 	snop  }
0x37: {  	[tilespmem:s15], [sflag:$0x1] =	stream.indirect_vreg.gather [hbm4b:s5+s2], $0x80, v4, vm0, $0xb8;
	[tilespmem:$0xC080] =	vst v63  }
0x38: {  	_ = 	snop  }
0x39: {  	[tilespmem:s16], [sflag:$0x1] =	stream.indirect_vreg.gather [hbm4b:s3+s2], $0x80, v3, vm0, $0xb8;
	[tilespmem:$0xC080] =	vst v63  }
0x3a: {  	_ = 	snop  }
0x3b: {  	[tilespmem:s17], [sflag:$0x1] =	stream.indirect_vreg.gather [hbm4b:s4+s2], $0x80, v3, vm0, $0xb8;
	[tilespmem:$0xC080] =	vst v63  }
0x3c: {  	_ = 	snop  }
0x3d: {  	[tilespmem:s18], [sflag:$0x1] =	stream.indirect_vreg.gather [hbm4b:s5+s2], $0x80, v3, vm0, $0xb8;
	[tilespmem:$0xC080] =	vst v63  }
0x3e: {  	v3 =	vld [tilespmem:$0x20];
	_ =	sdelay $0x4  }
0x3f: {  	v62 =	vshrl.u32 v3, $0x3  }
0x40: {  	v4 =	vmul.u32 $0x30, v62  }
0x41: {  	v3 =	vand.u32 $0x7, v3  }
0x42: {  	v3 =	vor.u32 v3, v4  }
0x43: {  	v4 =	vperm.xlane v3, v0;
	_ =	sdelay $0x1  }
0x44: {  	v4 =	vadd.s32 v1, v4;
	_ =	sdelay $0x3  }
0x45: {  	v3 =	vperm.xlane v3, v2  }
0x46: {  	[tilespmem:s19], [sflag:$0x1] =	stream.indirect_vreg.gather [hbm4b:s3+s2], $0x80, v4, vm0, $0xb8;
	[tilespmem:$0xC080] =	vst v63  }
0x47: {  	v3 =	vadd.s32 v1, v3  }
0x48: {  	[tilespmem:s20], [sflag:$0x1] =	stream.indirect_vreg.gather [hbm4b:s4+s2], $0x80, v4, vm0, $0xb8;
	[tilespmem:$0xC080] =	vst v63  }
0x49: {  	_ = 	snop  }
0x4a: {  	[tilespmem:s21], [sflag:$0x1] =	stream.indirect_vreg.gather [hbm4b:s5+s2], $0x80, v4, vm0, $0xb8;
	[tilespmem:$0xC080] =	vst v63  }
0x4b: {  	_ = 	snop  }
0x4c: {  	[tilespmem:s22], [sflag:$0x1] =	stream.indirect_vreg.gather [hbm4b:s3+s2], $0x80, v3, vm0, $0xb8;
	[tilespmem:$0xC080] =	vst v63  }
0x4d: {  	_ = 	snop  }
0x4e: {  	[tilespmem:s23], [sflag:$0x1] =	stream.indirect_vreg.gather [hbm4b:s4+s2], $0x80, v3, vm0, $0xb8;
	[tilespmem:$0xC080] =	vst v63  }
0x4f: {  	_ = 	snop  }
0x50: {  	[tilespmem:s24], [sflag:$0x1] =	stream.indirect_vreg.gather [hbm4b:s5+s2], $0x80, v3, vm0, $0xb8;
	[tilespmem:$0xC080] =	vst v63  }
0x51: {  	v3 =	vld [tilespmem:$0x30];
	_ =	sdelay $0x4  }
0x52: {  	v63 =	vshrl.u32 v3, $0x3  }
0x53: {  	v4 =	vmul.u32 $0x30, v63  }
0x54: {  	v3 =	vand.u32 $0x7, v3  }
0x55: {  	v3 =	vor.u32 v3, v4  }
0x56: {  	v4 =	vperm.xlane v3, v0;
	_ =	sdelay $0x1  }
0x57: {  	v4 =	vadd.s32 v1, v4;
	_ =	sdelay $0x3  }
0x58: {  	v3 =	vperm.xlane v3, v2  }
0x59: {  	[tilespmem:s25], [sflag:$0x1] =	stream.indirect_vreg.gather [hbm4b:s3+s2], $0x80, v4, vm0, $0xb8;
	[tilespmem:$0xC080] =	vst v63  }
0x5a: {  	v3 =	vadd.s32 v1, v3  }
0x5b: {  	[tilespmem:s26], [sflag:$0x1] =	stream.indirect_vreg.gather [hbm4b:s4+s2], $0x80, v4, vm0, $0xb8;
	[tilespmem:$0xC080] =	vst v63  }
0x5c: {  	_ = 	snop  }
0x5d: {  	[tilespmem:s28], [sflag:$0x1] =	stream.indirect_vreg.gather [hbm4b:s5+s2], $0x80, v4, vm0, $0xb8;
	[tilespmem:$0xC080] =	vst v63  }
0x5e: {  	_ = 	snop  }
0x5f: {  	[tilespmem:s29], [sflag:$0x1] =	stream.indirect_vreg.gather [hbm4b:s3+s2], $0x80, v3, vm0, $0xb8;
	[tilespmem:$0xC080] =	vst v63  }
0x60: {  	_ = 	snop  }
0x61: {  	[tilespmem:s30], [sflag:$0x1] =	stream.indirect_vreg.gather [hbm4b:s4+s2], $0x80, v3, vm0, $0xb8;
	[tilespmem:$0xC080] =	vst v63  }
0x62: {  	_ = 	snop  }
0x63: {  	[tilespmem:s31], [sflag:$0x1] =	stream.indirect_vreg.gather [hbm4b:s5+s2], $0x80, v3, vm0, $0xb8;
	[tilespmem:$0xC080] =	vst v63  }
0x64: {  	_ =	swait.ge [sflag:s0], $0xC000  }
0x65: {  	p0 =	sne.s32 s6, $0x1;
	[sflag:s0] =	ssyncset.done $0x0  }
.Ltmp0:
0x66: {  	s1 =	rddreg [dreg:$0x4];
	[sflag:s0] =	ssyncadd.s32 $0xFFFF4000;
	(pc) =	sbr.rel @p0 .LBB2_1-.Ltmp0, $4  }
0x67: {  	[hbm4b:s1+s2] =	stream.linear.scatter [tilespmem:s8], [sflag:$0x2], $0xC000, $0x38;
	[tilespmem:$0xC080] =	vst v63  }
0x68: {  	_ =	swait.ge [sflag:s7], $0xC000  }
0x69: {  	[sflag:s7] =	ssyncset.done $0x0  }
0x6a: {  	s6 =	sadd.s32 $0xFFFFFFFF, s6;
	[sflag:s7] =	ssyncadd.s32 $0xFFFF4000  }
0x6b: {  	_ =	sfence.sel $0x180000  }
0x6c: {  	[bflag:$0x0] =	sbarrier.arrive $0xFFFF  }
0x6d: {  	_ =	strace $0x9000004A  }
0x6e: {  	s0 =	stileid.u32;
	[bflag:$0x2] =	sbarrier.arrive $0xFFFF  }
0x6f: {  	p0 =	sne.s32 s0, $0x0;
	s0 =	rddreg [dreg:$0x2]  }
0x70: {  	s0 =	sadd.s32 @!p0 $0x100000, s0  }
0x71: {  	[sflag:s0] =	ssyncadd.tile.s32 @!p0 $0x1;
	_ =	shalt  }
.Lfunc_end2:
_tile_overlayer_lowered:
.L_overlay_start_2:
0x72: {  	(tag) =	ssettag $0x2  }
0x73: {  	s0 =	rddreg [dreg:$0x0];
	s2 =	stileid.u32  }
0x74: {  	s1 =	rddreg [dreg:$0x1];
	p0 =	sne.s32 s2, $0x0  }
0x75: {  	s3 =	rddreg [dreg:$0x2];
	[bflag:$0x3] =	sbarrier.arrive $0xFFFF;
	s2 =	simm.s32 @!p0 $0x1C02  }
0x76: {  	[timem:s3], [sflag:s2] =	dma.local @!p0 [hbm:s0], s1  }
0x77: {  	s0 =	simm.s32 @!p0 $0x2  }
0x78: {  	_ =	swait.ge @!p0 [sflag:s0], s1  }
0x79: {  	s1 =	ssub.s32 @!p0 $0x0, s1;
	[sflag:s0] =	ssyncset.done @!p0 $0x0  }
0x7a: {  	[sflag:s0] =	ssyncadd.s32 @!p0 s1  }
0x7b: {  	[bflag:$0x3] =	sbarrier.arrive $0xFFFF  }
0x7c: {  	_ =	shalt  }

</sc_bundles>
